<compile_context>
chip_gen: v7x
topology: tpu7x:2x2x1
jax: 0.10.2.dev20260603
libtpu: 0.0.44.dev20260713+nightly
codegen_flags: <defaults>
</compile_context>

<pallas_src>
import jax
import jax.numpy as jnp
from jax import lax
from jax.experimental import pallas as pl
from jax.experimental.pallas import tpu as pltpu
from jax.experimental.pallas import tpu_sc as plsc

N_NODES = 10000
N_INC = 320000
D = 128
NC = 2
NS = 16
L = 16
CK = 80
NROWS = N_INC // CK
PADROWS = 4480
SLAB = 256
NH = 5120
N_PAD = NC * NH
R_ACC = 5248
CSHARE = R_ACC // NS
NWR = CSHARE // CK
CTAIL = CSHARE - NWR * CK
PAD_ID = 2 * N_PAD
INFLIGHT = 4
CKZ = 80


def _sc_body(table, he2, seg2, pvec, z128, o128, out,
             he_v, seg_v, rows_v, cbuf, idx_z, p_v, acc, gsem):
    c = lax.axis_index("c")
    s = lax.axis_index("s")

    c = 1 - c
    pltpu.sync_copy(pvec, p_v)
    pltpu.sync_copy(z128, rows_v)
    pltpu.sync_copy(o128, cbuf)

    p = p_v[...][0]
    prow_up = (p + CK - 1) // CK
    rs_c = jnp.where(c == 0, 0, (p // (CK * 8)) * 8)
    span = jnp.where(c == 0, prow_up, NROWS - rs_c)
    cpt = ((span + NS * 8 - 1) // (NS * 8)) * 8
    rowstart = pl.multiple_of(rs_c + s * cpt, 8)

    pltpu.sync_copy(he2.at[pl.ds(rowstart, SLAB)], he_v)
    pltpu.sync_copy(seg2.at[pl.ds(rowstart, SLAB)], seg_v)

    lo = c * NH

    @pl.loop(0, SLAB)
    def _remap(j):
        for m in range(CK // L):
            v = seg_v[j, pl.ds(m * L, L)]
            t = v - lo
            bad = jnp.logical_or(t < 0, t >= NH)
            trash = NH + ((lax.iota(jnp.int32, L) + m * L) & 63)
            seg_v[j, pl.ds(m * L, L)] = jnp.where(bad, trash, t)

    base = s * CSHARE
    iota = lax.iota(jnp.int32, L)
    for r in range(5):
        for m in range(CKZ // L):
            pos = r * CKZ + m * L + iota
            idx_z[r, pl.ds(m * L, L)] = jnp.where(pos < CSHARE, base + pos,
                                                  jnp.int32(NH))

    @pl.loop(0, 5)
    def _zinit(r):
        pltpu.sync_copy(rows_v, acc.at[idx_z.at[r]])
    plsc.subcore_barrier()

    @pl.loop(0, cpt)
    def _cchunk(j):
        pltpu.sync_copy(cbuf, acc.at[seg_v.at[j]], add=True)

    plsc.subcore_barrier()

    @pl.loop(0, NWR)
    def _wrcnt(r):
        off = pl.multiple_of(base + r * CK, 8)
        pltpu.sync_copy(acc.at[pl.ds(off, CK)], cbuf)
        pltpu.sync_copy(cbuf, out.at[1, c, pl.ds(off, CK)])
    offt = pl.multiple_of(base + NWR * CK, 8)
    pltpu.sync_copy(acc.at[pl.ds(offt, CTAIL)], cbuf.at[pl.ds(0, CTAIL)])
    pltpu.sync_copy(cbuf.at[pl.ds(0, CTAIL)], out.at[1, c, pl.ds(offt, CTAIL)])
    plsc.subcore_barrier()

    @pl.loop(0, cpt)
    def _schunk(j):
        pltpu.async_copy(table.at[he_v.at[j]], rows_v, gsem).wait()
        pltpu.sync_copy(rows_v, acc.at[seg_v.at[j]], add=True)

    plsc.subcore_barrier()

    @pl.loop(0, NWR)
    def _wrsum(r):
        off = pl.multiple_of(base + r * CK, 8)
        pltpu.sync_copy(acc.at[pl.ds(off, CK)], rows_v)
        pltpu.sync_copy(rows_v, out.at[0, c, pl.ds(off, CK)])
    pltpu.sync_copy(acc.at[pl.ds(offt, CTAIL)], rows_v.at[pl.ds(0, CTAIL)])
    pltpu.sync_copy(rows_v.at[pl.ds(0, CTAIL)], out.at[0, c, pl.ds(offt, CTAIL)])


def _combine_body(ps_ref, pc_ref, o_ref):
    cnt = pc_ref[0, 0]
    o_ref[...] = (ps_ref[0, 0] - cnt) / jnp.maximum(cnt[:, 0:1], 1.0)


@jax.jit
def kernel(embedding_table, hyperedge_ids, segment_ids):
    npad = PADROWS * CK - N_INC
    he2 = jnp.concatenate(
        [hyperedge_ids, jnp.zeros((npad,), jnp.int32)]).reshape(PADROWS, CK)
    seg2 = jnp.concatenate(
        [segment_ids, jnp.full((npad,), PAD_ID, jnp.int32)]).reshape(PADROWS, CK)
    p = jnp.searchsorted(segment_ids, jnp.int32(NH)).astype(jnp.int32)
    pvec = jnp.full((16,), p, jnp.int32)
    z128 = jnp.zeros((CK, D), jnp.float32)
    o128 = jnp.ones((CK, D), jnp.float32)

    mesh = plsc.VectorSubcoreMesh(core_axis_name="c", subcore_axis_name="s",
                                  num_cores=NC, num_subcores=NS)
    sc_out = pl.kernel(
        _sc_body,
        out_type=jax.ShapeDtypeStruct((2, NC, R_ACC, D), jnp.float32),
        mesh=mesh,
        scratch_types=(
            pltpu.VMEM((SLAB, CK), jnp.int32),
            pltpu.VMEM((SLAB, CK), jnp.int32),
            pltpu.VMEM((CK, D), jnp.float32),
            pltpu.VMEM((CK, D), jnp.float32),
            pltpu.VMEM((5, CKZ), jnp.int32),
            pltpu.VMEM((16,), jnp.int32),
            pltpu.VMEM_SHARED((R_ACC, D), jnp.float32),
            pltpu.SemaphoreType.DMA,
        ),
    )(embedding_table, he2, seg2, pvec, z128, o128)

    rb = 1024
    nb_sc = NH // rb
    out = pl.pallas_call(
        _combine_body,
        grid=(N_PAD // rb,),
        in_specs=[
            pl.BlockSpec((1, 1, rb, D), lambda i: (0, i // nb_sc, i % nb_sc, 0)),
            pl.BlockSpec((1, 1, rb, D), lambda i: (1, i // nb_sc, i % nb_sc, 0)),
        ],
        out_specs=pl.BlockSpec((rb, D), lambda i: (i, 0)),
        out_shape=jax.ShapeDtypeStruct((N_PAD, D), jnp.float32),
    )(sc_out, sc_out)
    return out[:N_NODES]

# --- scband reference (transcript-rebuilt; emitter-appended) ---
"""Pipeline reference for scband-node-mean-aggregator-73469710565689 (READ-ONLY COPY).

The authoritative reference and input builder live on the scoring server;
editing this copy changes nothing except your own understanding.
"""

import jax, jax.numpy as jnp
import numpy as np

N_NODES = 10000
N_INCIDENCE = 320000
N_HYPEREDGES = 50000
D = 128


def setup_inputs(seed: int = 0) -> dict:
    key = jax.random.key(seed)
    k1, k2, k3 = jax.random.split(key, 3)
    embedding_table = jax.random.normal(k1, (N_HYPEREDGES, D), dtype=jnp.float32)
    hyperedge_ids = jax.random.randint(k2, (N_INCIDENCE,), 0, N_HYPEREDGES, dtype=jnp.int32)
    segment_ids = jnp.sort(jax.random.randint(k3, (N_INCIDENCE,), 0, N_NODES, dtype=jnp.int32))
    return {"embedding_table": embedding_table, "hyperedge_ids": hyperedge_ids, "segment_ids": segment_ids}


def reference(embedding_table, hyperedge_ids, segment_ids):
    # Faithful translation of NodeMeanAggregator.compute_aggregation:
    # the original builds a normalized node-x-hyperedge incidence mask and does
    # normalized_mask @ embedding_matrix, which equals a per-node mean of the
    # embeddings of its associated hyperedges. Here the node->hyperedge mapping
    # is flattened into (hyperedge_ids, segment_ids) COO form.
    gathered = jnp.take(embedding_table, hyperedge_ids, axis=0)  # [N_INCIDENCE, D] gather
    sums = jax.ops.segment_sum(gathered, segment_ids, num_segments=N_NODES)  # [N_NODES, D]
    counts = jax.ops.segment_sum(
        jnp.ones((hyperedge_ids.shape[0],), dtype=embedding_table.dtype),
        segment_ids,
        num_segments=N_NODES,
    )  # hyperedge_count per node (sum over mask row)
    aggregated = sums / jnp.maximum(counts, 1.0)[:, None]
    return aggregated

if __name__ == "__main__":
    import jax
    _d = setup_inputs()
    print(jax.jit(kernel)(*tuple(_d.values())))

</pallas_src>

<mosaic_0001>
#map = affine_map<(d0, d1) -> (0, 0)>
#map1 = affine_map<(d0, d1) -> (0)>
#map2 = affine_map<(d0, d1) -> (0, 0, 0, 0)>
module attributes {stable_mosaic.version = 14 : i64} {
  func.func @_sc_body(%arg0: i32, %arg1: i32, %arg2: memref<50000x128xf32, #tpu.memory_space<hbm>>, %arg3: memref<4480x80xi32, #tpu.memory_space<hbm>>, %arg4: memref<4480x80xi32, #tpu.memory_space<hbm>>, %arg5: memref<16xi32, #tpu.memory_space<hbm>>, %arg6: memref<80x128xf32, #tpu.memory_space<hbm>>, %arg7: memref<80x128xf32, #tpu.memory_space<hbm>>, %arg8: memref<2x2x5248x128xf32, #tpu.memory_space<hbm>>, %arg9: memref<256x80xi32, #tpu.memory_space<vmem>>, %arg10: memref<256x80xi32, #tpu.memory_space<vmem>>, %arg11: memref<80x128xf32, #tpu.memory_space<vmem>>, %arg12: memref<80x128xf32, #tpu.memory_space<vmem>>, %arg13: memref<5x80xi32, #tpu.memory_space<vmem>>, %arg14: memref<16xi32, #tpu.memory_space<vmem>>, %arg15: memref<5248x128xf32, #tpu.memory_space<vmem_shared>>, %arg16: memref<!tpu.dma_semaphore, #tpu.memory_space<semaphore_mem>>) attributes {dimension_semantics = [#tpu.dimension_semantics<core_parallel>, #tpu.dimension_semantics<subcore_parallel>], iteration_bounds = array<i64: 2, 16>, scalar_prefetch = 0 : i64, scratch_operands = 8 : i64, tpu.core_type = #tpu.core_type<sc_vector_subcore>, window_params = [{transform_indices = #map}, {transform_indices = #map}, {transform_indices = #map}, {transform_indices = #map1}, {transform_indices = #map}, {transform_indices = #map}, {transform_indices = #map2}]} {
    %sub3A = arith.constant 1 : i32
    %sub3A_0 = arith.subi %sub3A, %arg0 : i32
    "tpu.region"() ({
      %run_scoped3A_577 = tpu.sem_alloc : memref<!tpu.dma_semaphore, #tpu.memory_space<semaphore_mem>>
      tpu.enqueue_dma source(%arg5 : memref<16xi32, #tpu.memory_space<hbm>>) target(%arg14 : memref<16xi32, #tpu.memory_space<vmem>>) target_semaphore(%run_scoped3A_577 : memref<!tpu.dma_semaphore, #tpu.memory_space<semaphore_mem>>)
      tpu.wait_dma2 semaphore(%run_scoped3A_577 : memref<!tpu.dma_semaphore, #tpu.memory_space<semaphore_mem>>) src(%arg5 : memref<16xi32, #tpu.memory_space<hbm>>) dst(%arg14 : memref<16xi32, #tpu.memory_space<vmem>>)
      tpu.yield
    }) : () -> ()
    "tpu.region"() ({
      %run_scoped3A_577 = tpu.sem_alloc : memref<!tpu.dma_semaphore, #tpu.memory_space<semaphore_mem>>
      tpu.enqueue_dma source(%arg6 : memref<80x128xf32, #tpu.memory_space<hbm>>) target(%arg11 : memref<80x128xf32, #tpu.memory_space<vmem>>) target_semaphore(%run_scoped3A_577 : memref<!tpu.dma_semaphore, #tpu.memory_space<semaphore_mem>>)
      tpu.wait_dma2 semaphore(%run_scoped3A_577 : memref<!tpu.dma_semaphore, #tpu.memory_space<semaphore_mem>>) src(%arg6 : memref<80x128xf32, #tpu.memory_space<hbm>>) dst(%arg11 : memref<80x128xf32, #tpu.memory_space<vmem>>)
      tpu.yield
    }) : () -> ()
    "tpu.region"() ({
      %run_scoped3A_577 = tpu.sem_alloc : memref<!tpu.dma_semaphore, #tpu.memory_space<semaphore_mem>>
      tpu.enqueue_dma source(%arg7 : memref<80x128xf32, #tpu.memory_space<hbm>>) target(%arg12 : memref<80x128xf32, #tpu.memory_space<vmem>>) target_semaphore(%run_scoped3A_577 : memref<!tpu.dma_semaphore, #tpu.memory_space<semaphore_mem>>)
      tpu.wait_dma2 semaphore(%run_scoped3A_577 : memref<!tpu.dma_semaphore, #tpu.memory_space<semaphore_mem>>) src(%arg7 : memref<80x128xf32, #tpu.memory_space<hbm>>) dst(%arg12 : memref<80x128xf32, #tpu.memory_space<vmem>>)
      tpu.yield
    }) : () -> ()
    %get3A = arith.constant 0 : index
    %get3A_1 = tpu.vector_load %arg14[%get3A] {strides = array<i32>} : memref<16xi32, #tpu.memory_space<vmem>>, vector<16xi32>,
    %get3A_2 = vector.shape_cast %get3A_1 : vector<16xi32> to vector<16xi32>
    %slice3A = vector.extract_strided_slice %get3A_2 {offsets = [0], sizes = [1], strides = [1]} : vector<16xi32> to vector<1xi32>
    %squeeze3A = vector.extract %slice3A[0] : i32 from vector<1xi32>
    %add3A = arith.constant 80 : i32
    %add3A_3 = arith.addi %squeeze3A, %add3A : i32
    %sub3A_4 = arith.constant 1 : i32
    %sub3A_5 = arith.subi %add3A_3, %sub3A_4 : i32
    %jit3A = arith.constant 80 : i32
    %div3A = arith.divsi %sub3A_5, %jit3A : i32
    %sign3A = arith.constant 0 : i32
    %sign3A_6 = arith.cmpi sgt, %sub3A_5, %sign3A : i32
    %sign3A_7 = arith.extui %sign3A_6 : i1 to i32
    %sign3A_8 = arith.constant 0 : i32
    %sign3A_9 = arith.cmpi slt, %sub3A_5, %sign3A_8 : i32
    %sign3A_10 = arith.extui %sign3A_9 : i1 to i32
    %sign3A_11 = arith.subi %sign3A_7, %sign3A_10 : i32
    %sign3A_12 = arith.constant 0 : i32
    %sign3A_13 = arith.cmpi sgt, %jit3A, %sign3A_12 : i32
    %sign3A_14 = arith.extui %sign3A_13 : i1 to i32
    %sign3A_15 = arith.constant 0 : i32
    %sign3A_16 = arith.cmpi slt, %jit3A, %sign3A_15 : i32
    %sign3A_17 = arith.extui %sign3A_16 : i1 to i32
    %sign3A_18 = arith.subi %sign3A_14, %sign3A_17 : i32
    %ne3A = arith.cmpi ne, %sign3A_11, %sign3A_18 : i32
    %rem3A = arith.remsi %sub3A_5, %jit3A : i32
    %ne3A_19 = arith.constant 0 : i32
    %ne3A_20 = arith.cmpi ne, %rem3A, %ne3A_19 : i32
    %and3A = arith.andi %ne3A, %ne3A_20 : i1
    %sub3A_21 = arith.constant 1 : i32
    %sub3A_22 = arith.subi %div3A, %sub3A_21 : i32
    %select_n3A = arith.select %and3A, %sub3A_22, %div3A : i32
    %eq3A = arith.constant 0 : i32
    %eq3A_23 = arith.cmpi eq, %sub3A_0, %eq3A : i32
    %jit3A_24 = arith.constant 640 : i32
    %div3A_25 = arith.divsi %squeeze3A, %jit3A_24 : i32
    %sign3A_26 = arith.constant 0 : i32
    %sign3A_27 = arith.cmpi sgt, %squeeze3A, %sign3A_26 : i32
    %sign3A_28 = arith.extui %sign3A_27 : i1 to i32
    %sign3A_29 = arith.constant 0 : i32
    %sign3A_30 = arith.cmpi slt, %squeeze3A, %sign3A_29 : i32
    %sign3A_31 = arith.extui %sign3A_30 : i1 to i32
    %sign3A_32 = arith.subi %sign3A_28, %sign3A_31 : i32
    %sign3A_33 = arith.constant 0 : i32
    %sign3A_34 = arith.cmpi sgt, %jit3A_24, %sign3A_33 : i32
    %sign3A_35 = arith.extui %sign3A_34 : i1 to i32
    %sign3A_36 = arith.constant 0 : i32
    %sign3A_37 = arith.cmpi slt, %jit3A_24, %sign3A_36 : i32
    %sign3A_38 = arith.extui %sign3A_37 : i1 to i32
    %sign3A_39 = arith.subi %sign3A_35, %sign3A_38 : i32
    %ne3A_40 = arith.cmpi ne, %sign3A_32, %sign3A_39 : i32
    %rem3A_41 = arith.remsi %squeeze3A, %jit3A_24 : i32
    %ne3A_42 = arith.constant 0 : i32
    %ne3A_43 = arith.cmpi ne, %rem3A_41, %ne3A_42 : i32
    %and3A_44 = arith.andi %ne3A_40, %ne3A_43 : i1
    %sub3A_45 = arith.constant 1 : i32
    %sub3A_46 = arith.subi %div3A_25, %sub3A_45 : i32
    %select_n3A_47 = arith.select %and3A_44, %sub3A_46, %div3A_25 : i32
    %mul3A = arith.constant 8 : i32
    %mul3A_48 = arith.muli %select_n3A_47, %mul3A : i32
    %jit3A_49 = arith.constant 0 : i32
    %select_n3A_50 = arith.select %eq3A_23, %jit3A_49, %mul3A_48 : i32
    %eq3A_51 = arith.constant 0 : i32
    %eq3A_52 = arith.cmpi eq, %sub3A_0, %eq3A_51 : i32
    %sub3A_53 = arith.constant 4000 : i32
    %sub3A_54 = arith.subi %sub3A_53, %select_n3A_50 : i32
    %select_n3A_55 = arith.select %eq3A_52, %select_n3A, %sub3A_54 : i32
    %add3A_56 = arith.constant 128 : i32
    %add3A_57 = arith.addi %select_n3A_55, %add3A_56 : i32
    %sub3A_58 = arith.constant 1 : i32
    %sub3A_59 = arith.subi %add3A_57, %sub3A_58 : i32
    %jit3A_60 = arith.constant 128 : i32
    %div3A_61 = arith.divsi %sub3A_59, %jit3A_60 : i32
    %sign3A_62 = arith.constant 0 : i32
    %sign3A_63 = arith.cmpi sgt, %sub3A_59, %sign3A_62 : i32
    %sign3A_64 = arith.extui %sign3A_63 : i1 to i32
    %sign3A_65 = arith.constant 0 : i32
    %sign3A_66 = arith.cmpi slt, %sub3A_59, %sign3A_65 : i32
    %sign3A_67 = arith.extui %sign3A_66 : i1 to i32
    %sign3A_68 = arith.subi %sign3A_64, %sign3A_67 : i32
    %sign3A_69 = arith.constant 0 : i32
    %sign3A_70 = arith.cmpi sgt, %jit3A_60, %sign3A_69 : i32
    %sign3A_71 = arith.extui %sign3A_70 : i1 to i32
    %sign3A_72 = arith.constant 0 : i32
    %sign3A_73 = arith.cmpi slt, %jit3A_60, %sign3A_72 : i32
    %sign3A_74 = arith.extui %sign3A_73 : i1 to i32
    %sign3A_75 = arith.subi %sign3A_71, %sign3A_74 : i32
    %ne3A_76 = arith.cmpi ne, %sign3A_68, %sign3A_75 : i32
    %rem3A_77 = arith.remsi %sub3A_59, %jit3A_60 : i32
    %ne3A_78 = arith.constant 0 : i32
    %ne3A_79 = arith.cmpi ne, %rem3A_77, %ne3A_78 : i32
    %and3A_80 = arith.andi %ne3A_76, %ne3A_79 : i1
    %sub3A_81 = arith.constant 1 : i32
    %sub3A_82 = arith.subi %div3A_61, %sub3A_81 : i32
    %select_n3A_83 = arith.select %and3A_80, %sub3A_82, %div3A_61 : i32
    %mul3A_84 = arith.constant 8 : i32
    %mul3A_85 = arith.muli %select_n3A_83, %mul3A_84 : i32
    %mul3A_86 = arith.muli %arg1, %mul3A_85 : i32
    %add3A_87 = arith.addi %select_n3A_50, %mul3A_86 : i32
    %multiple_of3A = tpu.assume_multiple %add3A_87, 8 : i32
    "tpu.region"() ({
      %run_scoped3A_577 = tpu.sem_alloc : memref<!tpu.dma_semaphore, #tpu.memory_space<semaphore_mem>>
      %dma_start3A = arith.constant 0 : i32
      %dma_start3A_578 = tpu.memref_slice %arg3[%multiple_of3A, %dma_start3A] : memref<4480x80xi32, #tpu.memory_space<hbm>> -> memref<256x80xi32, #tpu.memory_space<hbm>>
      %dma_start3A_579 = arith.constant 0 : i32
      %dma_start3A_580 = tpu.memref_slice %arg3[%multiple_of3A, %dma_start3A_579] : memref<4480x80xi32, #tpu.memory_space<hbm>> -> memref<256x80xi32, #tpu.memory_space<hbm>>
      tpu.enqueue_dma source(%dma_start3A_580 : memref<256x80xi32, #tpu.memory_space<hbm>>) target(%arg9 : memref<256x80xi32, #tpu.memory_space<vmem>>) target_semaphore(%run_scoped3A_577 : memref<!tpu.dma_semaphore, #tpu.memory_space<semaphore_mem>>)
      %dma_wait3A = arith.constant 0 : i32
      %dma_wait3A_581 = tpu.memref_slice %arg3[%multiple_of3A, %dma_wait3A] : memref<4480x80xi32, #tpu.memory_space<hbm>> -> memref<256x80xi32, #tpu.memory_space<hbm>>
      %dma_wait3A_582 = arith.constant 0 : i32
      %dma_wait3A_583 = tpu.memref_slice %arg3[%multiple_of3A, %dma_wait3A_582] : memref<4480x80xi32, #tpu.memory_space<hbm>> -> memref<256x80xi32, #tpu.memory_space<hbm>>
      tpu.wait_dma2 semaphore(%run_scoped3A_577 : memref<!tpu.dma_semaphore, #tpu.memory_space<semaphore_mem>>) src(%dma_wait3A_583 : memref<256x80xi32, #tpu.memory_space<hbm>>) dst(%arg9 : memref<256x80xi32, #tpu.memory_space<vmem>>)
      tpu.yield
    }) : () -> ()
    "tpu.region"() ({
      %run_scoped3A_577 = tpu.sem_alloc : memref<!tpu.dma_semaphore, #tpu.memory_space<semaphore_mem>>
      %dma_start3A = arith.constant 0 : i32
      %dma_start3A_578 = tpu.memref_slice %arg4[%multiple_of3A, %dma_start3A] : memref<4480x80xi32, #tpu.memory_space<hbm>> -> memref<256x80xi32, #tpu.memory_space<hbm>>
      %dma_start3A_579 = arith.constant 0 : i32
      %dma_start3A_580 = tpu.memref_slice %arg4[%multiple_of3A, %dma_start3A_579] : memref<4480x80xi32, #tpu.memory_space<hbm>> -> memref<256x80xi32, #tpu.memory_space<hbm>>
      tpu.enqueue_dma source(%dma_start3A_580 : memref<256x80xi32, #tpu.memory_space<hbm>>) target(%arg10 : memref<256x80xi32, #tpu.memory_space<vmem>>) target_semaphore(%run_scoped3A_577 : memref<!tpu.dma_semaphore, #tpu.memory_space<semaphore_mem>>)
      %dma_wait3A = arith.constant 0 : i32
      %dma_wait3A_581 = tpu.memref_slice %arg4[%multiple_of3A, %dma_wait3A] : memref<4480x80xi32, #tpu.memory_space<hbm>> -> memref<256x80xi32, #tpu.memory_space<hbm>>
      %dma_wait3A_582 = arith.constant 0 : i32
      %dma_wait3A_583 = tpu.memref_slice %arg4[%multiple_of3A, %dma_wait3A_582] : memref<4480x80xi32, #tpu.memory_space<hbm>> -> memref<256x80xi32, #tpu.memory_space<hbm>>
      tpu.wait_dma2 semaphore(%run_scoped3A_577 : memref<!tpu.dma_semaphore, #tpu.memory_space<semaphore_mem>>) src(%dma_wait3A_583 : memref<256x80xi32, #tpu.memory_space<hbm>>) dst(%arg10 : memref<256x80xi32, #tpu.memory_space<vmem>>)
      tpu.yield
    }) : () -> ()
    %mul3A_88 = arith.constant 5120 : i32
    %mul3A_89 = arith.muli %sub3A_0, %mul3A_88 : i32
    %scan3A = arith.constant 0 : i32
    %scan3A_90 = arith.constant 256 : i32
    %scan3A_91 = arith.addi %scan3A, %scan3A_90 : i32
    %scan3A_92 = arith.constant 1 : i32
    scf.for %scan3A_577 = %scan3A to %scan3A_91 step %scan3A_92  : i32 {
      %mul3A_578 = arith.constant 1 : i32
      %mul3A_579 = arith.muli %scan3A_577, %mul3A_578 : i32
      %add3A_580 = arith.constant 0 : i32
      %add3A_581 = arith.addi %add3A_580, %mul3A_579 : i32
      %get3A_582 = arith.index_cast %add3A_581 : i32 to index
      %get3A_583 = arith.constant 0 : index
      %get3A_584 = tpu.vector_load %arg10[%get3A_582, %get3A_583] {strides = array<i32>} : memref<256x80xi32, #tpu.memory_space<vmem>>, vector<1x16xi32>,
      %get3A_585 = vector.shape_cast %get3A_584 : vector<1x16xi32> to vector<16xi32>
      %sub3A_586 = vector.broadcast %mul3A_89 : i32 to vector<16xi32>
      %sub3A_587 = arith.subi %get3A_585, %sub3A_586 : vector<16xi32>
      %lt3A_588 = arith.constant 0 : i32
      %lt3A_589 = vector.broadcast %lt3A_588 : i32 to vector<16xi32>
      %lt3A_590 = arith.cmpi slt, %sub3A_587, %lt3A_589 : vector<16xi32>
      %ge3A = arith.constant 5120 : i32
      %ge3A_591 = vector.broadcast %ge3A : i32 to vector<16xi32>
      %ge3A_592 = arith.cmpi sge, %sub3A_587, %ge3A_591 : vector<16xi32>
      %or3A = arith.ori %lt3A_590, %ge3A_592 : vector<16xi1>
      %iota3A_593 = tpu.iota {dimensions = array<i32: 0>} : vector<16xi32>
      %add3A_594 = arith.constant 0 : i32
      %add3A_595 = vector.broadcast %add3A_594 : i32 to vector<16xi32>
      %add3A_596 = arith.addi %iota3A_593, %add3A_595 : vector<16xi32>
      %and3A_597 = arith.constant 63 : i32
      %and3A_598 = vector.broadcast %and3A_597 : i32 to vector<16xi32>
      %and3A_599 = arith.andi %add3A_596, %and3A_598 : vector<16xi32>
      %add3A_600 = arith.constant 5120 : i32
      %add3A_601 = vector.broadcast %add3A_600 : i32 to vector<16xi32>
      %add3A_602 = arith.addi %add3A_601, %and3A_599 : vector<16xi32>
      %select_n3A_603 = arith.select %or3A, %add3A_602, %sub3A_587 : vector<16xi1>, vector<16xi32>
      %swap3A_604 = arith.index_cast %add3A_581 : i32 to index
      %swap3A_605 = arith.constant 0 : index
      %swap3A_606 = tpu.vector_load %arg10[%swap3A_604, %swap3A_605] {strides = array<i32>} : memref<256x80xi32, #tpu.memory_space<vmem>>, vector<1x16xi32>,
      %swap3A_607 = vector.shape_cast %swap3A_606 : vector<1x16xi32> to vector<16xi32>
      %swap3A_608 = vector.shape_cast %select_n3A_603 : vector<16xi32> to vector<1x16xi32>
      tpu.vector_store %arg10[%swap3A_604, %swap3A_605], %swap3A_608 {strides = array<i32>} : memref<256x80xi32, #tpu.memory_space<vmem>>, vector<1x16xi32>,
      %get3A_609 = arith.index_cast %add3A_581 : i32 to index
      %get3A_610 = arith.constant 16 : index
      %get3A_611 = tpu.vector_load %arg10[%get3A_609, %get3A_610] {strides = array<i32>} : memref<256x80xi32, #tpu.memory_space<vmem>>, vector<1x16xi32>,
      %get3A_612 = vector.shape_cast %get3A_611 : vector<1x16xi32> to vector<16xi32>
      %sub3A_613 = vector.broadcast %mul3A_89 : i32 to vector<16xi32>
      %sub3A_614 = arith.subi %get3A_612, %sub3A_613 : vector<16xi32>
      %lt3A_615 = arith.constant 0 : i32
      %lt3A_616 = vector.broadcast %lt3A_615 : i32 to vector<16xi32>
      %lt3A_617 = arith.cmpi slt, %sub3A_614, %lt3A_616 : vector<16xi32>
      %ge3A_618 = arith.constant 5120 : i32
      %ge3A_619 = vector.broadcast %ge3A_618 : i32 to vector<16xi32>
      %ge3A_620 = arith.cmpi sge, %sub3A_614, %ge3A_619 : vector<16xi32>
      %or3A_621 = arith.ori %lt3A_617, %ge3A_620 : vector<16xi1>
      %iota3A_622 = tpu.iota {dimensions = array<i32: 0>} : vector<16xi32>
      %add3A_623 = arith.constant 16 : i32
      %add3A_624 = vector.broadcast %add3A_623 : i32 to vector<16xi32>
      %add3A_625 = arith.addi %iota3A_622, %add3A_624 : vector<16xi32>
      %and3A_626 = arith.constant 63 : i32
      %and3A_627 = vector.broadcast %and3A_626 : i32 to vector<16xi32>
      %and3A_628 = arith.andi %add3A_625, %and3A_627 : vector<16xi32>
      %add3A_629 = arith.constant 5120 : i32
      %add3A_630 = vector.broadcast %add3A_629 : i32 to vector<16xi32>
      %add3A_631 = arith.addi %add3A_630, %and3A_628 : vector<16xi32>
      %select_n3A_632 = arith.select %or3A_621, %add3A_631, %sub3A_614 : vector<16xi1>, vector<16xi32>
      %swap3A_633 = arith.index_cast %add3A_581 : i32 to index
      %swap3A_634 = arith.constant 16 : index
      %swap3A_635 = tpu.vector_load %arg10[%swap3A_633, %swap3A_634] {strides = array<i32>} : memref<256x80xi32, #tpu.memory_space<vmem>>, vector<1x16xi32>,
      %swap3A_636 = vector.shape_cast %swap3A_635 : vector<1x16xi32> to vector<16xi32>
      %swap3A_637 = vector.shape_cast %select_n3A_632 : vector<16xi32> to vector<1x16xi32>
      tpu.vector_store %arg10[%swap3A_633, %swap3A_634], %swap3A_637 {strides = array<i32>} : memref<256x80xi32, #tpu.memory_space<vmem>>, vector<1x16xi32>,
      %get3A_638 = arith.index_cast %add3A_581 : i32 to index
      %get3A_639 = arith.constant 32 : index
      %get3A_640 = tpu.vector_load %arg10[%get3A_638, %get3A_639] {strides = array<i32>} : memref<256x80xi32, #tpu.memory_space<vmem>>, vector<1x16xi32>,
      %get3A_641 = vector.shape_cast %get3A_640 : vector<1x16xi32> to vector<16xi32>
      %sub3A_642 = vector.broadcast %mul3A_89 : i32 to vector<16xi32>
      %sub3A_643 = arith.subi %get3A_641, %sub3A_642 : vector<16xi32>
      %lt3A_644 = arith.constant 0 : i32
      %lt3A_645 = vector.broadcast %lt3A_644 : i32 to vector<16xi32>
      %lt3A_646 = arith.cmpi slt, %sub3A_643, %lt3A_645 : vector<16xi32>
      %ge3A_647 = arith.constant 5120 : i32
      %ge3A_648 = vector.broadcast %ge3A_647 : i32 to vector<16xi32>
      %ge3A_649 = arith.cmpi sge, %sub3A_643, %ge3A_648 : vector<16xi32>
      %or3A_650 = arith.ori %lt3A_646, %ge3A_649 : vector<16xi1>
      %iota3A_651 = tpu.iota {dimensions = array<i32: 0>} : vector<16xi32>
      %add3A_652 = arith.constant 32 : i32
      %add3A_653 = vector.broadcast %add3A_652 : i32 to vector<16xi32>
      %add3A_654 = arith.addi %iota3A_651, %add3A_653 : vector<16xi32>
      %and3A_655 = arith.constant 63 : i32
      %and3A_656 = vector.broadcast %and3A_655 : i32 to vector<16xi32>
      %and3A_657 = arith.andi %add3A_654, %and3A_656 : vector<16xi32>
      %add3A_658 = arith.constant 5120 : i32
      %add3A_659 = vector.broadcast %add3A_658 : i32 to vector<16xi32>
      %add3A_660 = arith.addi %add3A_659, %and3A_657 : vector<16xi32>
      %select_n3A_661 = arith.select %or3A_650, %add3A_660, %sub3A_643 : vector<16xi1>, vector<16xi32>
      %swap3A_662 = arith.index_cast %add3A_581 : i32 to index
      %swap3A_663 = arith.constant 32 : index
      %swap3A_664 = tpu.vector_load %arg10[%swap3A_662, %swap3A_663] {strides = array<i32>} : memref<256x80xi32, #tpu.memory_space<vmem>>, vector<1x16xi32>,
      %swap3A_665 = vector.shape_cast %swap3A_664 : vector<1x16xi32> to vector<16xi32>
      %swap3A_666 = vector.shape_cast %select_n3A_661 : vector<16xi32> to vector<1x16xi32>
      tpu.vector_store %arg10[%swap3A_662, %swap3A_663], %swap3A_666 {strides = array<i32>} : memref<256x80xi32, #tpu.memory_space<vmem>>, vector<1x16xi32>,
      %get3A_667 = arith.index_cast %add3A_581 : i32 to index
      %get3A_668 = arith.constant 48 : index
      %get3A_669 = tpu.vector_load %arg10[%get3A_667, %get3A_668] {strides = array<i32>} : memref<256x80xi32, #tpu.memory_space<vmem>>, vector<1x16xi32>,
      %get3A_670 = vector.shape_cast %get3A_669 : vector<1x16xi32> to vector<16xi32>
      %sub3A_671 = vector.broadcast %mul3A_89 : i32 to vector<16xi32>
      %sub3A_672 = arith.subi %get3A_670, %sub3A_671 : vector<16xi32>
      %lt3A_673 = arith.constant 0 : i32
      %lt3A_674 = vector.broadcast %lt3A_673 : i32 to vector<16xi32>
      %lt3A_675 = arith.cmpi slt, %sub3A_672, %lt3A_674 : vector<16xi32>
      %ge3A_676 = arith.constant 5120 : i32
      %ge3A_677 = vector.broadcast %ge3A_676 : i32 to vector<16xi32>
      %ge3A_678 = arith.cmpi sge, %sub3A_672, %ge3A_677 : vector<16xi32>
      %or3A_679 = arith.ori %lt3A_675, %ge3A_678 : vector<16xi1>
      %iota3A_680 = tpu.iota {dimensions = array<i32: 0>} : vector<16xi32>
      %add3A_681 = arith.constant 48 : i32
      %add3A_682 = vector.broadcast %add3A_681 : i32 to vector<16xi32>
      %add3A_683 = arith.addi %iota3A_680, %add3A_682 : vector<16xi32>
      %and3A_684 = arith.constant 63 : i32
      %and3A_685 = vector.broadcast %and3A_684 : i32 to vector<16xi32>
      %and3A_686 = arith.andi %add3A_683, %and3A_685 : vector<16xi32>
      %add3A_687 = arith.constant 5120 : i32
      %add3A_688 = vector.broadcast %add3A_687 : i32 to vector<16xi32>
      %add3A_689 = arith.addi %add3A_688, %and3A_686 : vector<16xi32>
      %select_n3A_690 = arith.select %or3A_679, %add3A_689, %sub3A_672 : vector<16xi1>, vector<16xi32>
      %swap3A_691 = arith.index_cast %add3A_581 : i32 to index
      %swap3A_692 = arith.constant 48 : index
      %swap3A_693 = tpu.vector_load %arg10[%swap3A_691, %swap3A_692] {strides = array<i32>} : memref<256x80xi32, #tpu.memory_space<vmem>>, vector<1x16xi32>,
      %swap3A_694 = vector.shape_cast %swap3A_693 : vector<1x16xi32> to vector<16xi32>
      %swap3A_695 = vector.shape_cast %select_n3A_690 : vector<16xi32> to vector<1x16xi32>
      tpu.vector_store %arg10[%swap3A_691, %swap3A_692], %swap3A_695 {strides = array<i32>} : memref<256x80xi32, #tpu.memory_space<vmem>>, vector<1x16xi32>,
      %get3A_696 = arith.index_cast %add3A_581 : i32 to index
      %get3A_697 = arith.constant 64 : index
      %get3A_698 = tpu.vector_load %arg10[%get3A_696, %get3A_697] {strides = array<i32>} : memref<256x80xi32, #tpu.memory_space<vmem>>, vector<1x16xi32>,
      %get3A_699 = vector.shape_cast %get3A_698 : vector<1x16xi32> to vector<16xi32>
      %sub3A_700 = vector.broadcast %mul3A_89 : i32 to vector<16xi32>
      %sub3A_701 = arith.subi %get3A_699, %sub3A_700 : vector<16xi32>
      %lt3A_702 = arith.constant 0 : i32
      %lt3A_703 = vector.broadcast %lt3A_702 : i32 to vector<16xi32>
      %lt3A_704 = arith.cmpi slt, %sub3A_701, %lt3A_703 : vector<16xi32>
      %ge3A_705 = arith.constant 5120 : i32
      %ge3A_706 = vector.broadcast %ge3A_705 : i32 to vector<16xi32>
      %ge3A_707 = arith.cmpi sge, %sub3A_701, %ge3A_706 : vector<16xi32>
      %or3A_708 = arith.ori %lt3A_704, %ge3A_707 : vector<16xi1>
      %iota3A_709 = tpu.iota {dimensions = array<i32: 0>} : vector<16xi32>
      %add3A_710 = arith.constant 64 : i32
      %add3A_711 = vector.broadcast %add3A_710 : i32 to vector<16xi32>
      %add3A_712 = arith.addi %iota3A_709, %add3A_711 : vector<16xi32>
      %and3A_713 = arith.constant 63 : i32
      %and3A_714 = vector.broadcast %and3A_713 : i32 to vector<16xi32>
      %and3A_715 = arith.andi %add3A_712, %and3A_714 : vector<16xi32>
      %add3A_716 = arith.constant 5120 : i32
      %add3A_717 = vector.broadcast %add3A_716 : i32 to vector<16xi32>
      %add3A_718 = arith.addi %add3A_717, %and3A_715 : vector<16xi32>
      %select_n3A_719 = arith.select %or3A_708, %add3A_718, %sub3A_701 : vector<16xi1>, vector<16xi32>
      %swap3A_720 = arith.index_cast %add3A_581 : i32 to index
      %swap3A_721 = arith.constant 64 : index
      %swap3A_722 = tpu.vector_load %arg10[%swap3A_720, %swap3A_721] {strides = array<i32>} : memref<256x80xi32, #tpu.memory_space<vmem>>, vector<1x16xi32>,
      %swap3A_723 = vector.shape_cast %swap3A_722 : vector<1x16xi32> to vector<16xi32>
      %swap3A_724 = vector.shape_cast %select_n3A_719 : vector<16xi32> to vector<1x16xi32>
      tpu.vector_store %arg10[%swap3A_720, %swap3A_721], %swap3A_724 {strides = array<i32>} : memref<256x80xi32, #tpu.memory_space<vmem>>, vector<1x16xi32>,
    }
    %scan3A_93 = arith.constant 256 : i32
    %mul3A_94 = arith.constant 328 : i32
    %mul3A_95 = arith.muli %arg1, %mul3A_94 : i32
    %iota3A = tpu.iota {dimensions = array<i32: 0>} : vector<16xi32>
    %add3A_96 = arith.constant 0 : i32
    %add3A_97 = vector.broadcast %add3A_96 : i32 to vector<16xi32>
    %add3A_98 = arith.addi %add3A_97, %iota3A : vector<16xi32>
    %lt3A = arith.constant 328 : i32
    %lt3A_99 = vector.broadcast %lt3A : i32 to vector<16xi32>
    %lt3A_100 = arith.cmpi slt, %add3A_98, %lt3A_99 : vector<16xi32>
    %add3A_101 = vector.broadcast %mul3A_95 : i32 to vector<16xi32>
    %add3A_102 = arith.addi %add3A_101, %add3A_98 : vector<16xi32>
    %jit3A_103 = arith.constant 5120 : i32
    %broadcast_in_dim3A = vector.broadcast %jit3A_103 : i32 to vector<16xi32>
    %select_n3A_104 = arith.select %lt3A_100, %add3A_102, %broadcast_in_dim3A : vector<16xi1>, vector<16xi32>
    %swap3A = arith.constant 0 : i32
    %swap3A_105 = arith.index_cast %swap3A : i32 to index
    %swap3A_106 = arith.constant 0 : index
    %swap3A_107 = tpu.vector_load %arg13[%swap3A_105, %swap3A_106] {strides = array<i32>} : memref<5x80xi32, #tpu.memory_space<vmem>>, vector<1x16xi32>,
    %swap3A_108 = vector.shape_cast %swap3A_107 : vector<1x16xi32> to vector<16xi32>
    %swap3A_109 = vector.shape_cast %select_n3A_104 : vector<16xi32> to vector<1x16xi32>
    tpu.vector_store %arg13[%swap3A_105, %swap3A_106], %swap3A_109 {strides = array<i32>} : memref<5x80xi32, #tpu.memory_space<vmem>>, vector<1x16xi32>,
    %add3A_110 = arith.constant 16 : i32
    %add3A_111 = vector.broadcast %add3A_110 : i32 to vector<16xi32>
    %add3A_112 = arith.addi %add3A_111, %iota3A : vector<16xi32>
    %lt3A_113 = arith.constant 328 : i32
    %lt3A_114 = vector.broadcast %lt3A_113 : i32 to vector<16xi32>
    %lt3A_115 = arith.cmpi slt, %add3A_112, %lt3A_114 : vector<16xi32>
    %add3A_116 = vector.broadcast %mul3A_95 : i32 to vector<16xi32>
    %add3A_117 = arith.addi %add3A_116, %add3A_112 : vector<16xi32>
    %jit3A_118 = arith.constant 5120 : i32
    %broadcast_in_dim3A_119 = vector.broadcast %jit3A_118 : i32 to vector<16xi32>
    %select_n3A_120 = arith.select %lt3A_115, %add3A_117, %broadcast_in_dim3A_119 : vector<16xi1>, vector<16xi32>
    %swap3A_121 = arith.constant 0 : i32
    %swap3A_122 = arith.index_cast %swap3A_121 : i32 to index
    %swap3A_123 = arith.constant 16 : index
    %swap3A_124 = tpu.vector_load %arg13[%swap3A_122, %swap3A_123] {strides = array<i32>} : memref<5x80xi32, #tpu.memory_space<vmem>>, vector<1x16xi32>,
    %swap3A_125 = vector.shape_cast %swap3A_124 : vector<1x16xi32> to vector<16xi32>
    %swap3A_126 = vector.shape_cast %select_n3A_120 : vector<16xi32> to vector<1x16xi32>
    tpu.vector_store %arg13[%swap3A_122, %swap3A_123], %swap3A_126 {strides = array<i32>} : memref<5x80xi32, #tpu.memory_space<vmem>>, vector<1x16xi32>,
    %add3A_127 = arith.constant 32 : i32
    %add3A_128 = vector.broadcast %add3A_127 : i32 to vector<16xi32>
    %add3A_129 = arith.addi %add3A_128, %iota3A : vector<16xi32>
    %lt3A_130 = arith.constant 328 : i32
    %lt3A_131 = vector.broadcast %lt3A_130 : i32 to vector<16xi32>
    %lt3A_132 = arith.cmpi slt, %add3A_129, %lt3A_131 : vector<16xi32>
    %add3A_133 = vector.broadcast %mul3A_95 : i32 to vector<16xi32>
    %add3A_134 = arith.addi %add3A_133, %add3A_129 : vector<16xi32>
    %jit3A_135 = arith.constant 5120 : i32
    %broadcast_in_dim3A_136 = vector.broadcast %jit3A_135 : i32 to vector<16xi32>
    %select_n3A_137 = arith.select %lt3A_132, %add3A_134, %broadcast_in_dim3A_136 : vector<16xi1>, vector<16xi32>
    %swap3A_138 = arith.constant 0 : i32
    %swap3A_139 = arith.index_cast %swap3A_138 : i32 to index
    %swap3A_140 = arith.constant 32 : index
    %swap3A_141 = tpu.vector_load %arg13[%swap3A_139, %swap3A_140] {strides = array<i32>} : memref<5x80xi32, #tpu.memory_space<vmem>>, vector<1x16xi32>,
    %swap3A_142 = vector.shape_cast %swap3A_141 : vector<1x16xi32> to vector<16xi32>
    %swap3A_143 = vector.shape_cast %select_n3A_137 : vector<16xi32> to vector<1x16xi32>
    tpu.vector_store %arg13[%swap3A_139, %swap3A_140], %swap3A_143 {strides = array<i32>} : memref<5x80xi32, #tpu.memory_space<vmem>>, vector<1x16xi32>,
    %add3A_144 = arith.constant 48 : i32
    %add3A_145 = vector.broadcast %add3A_144 : i32 to vector<16xi32>
    %add3A_146 = arith.addi %add3A_145, %iota3A : vector<16xi32>
    %lt3A_147 = arith.constant 328 : i32
    %lt3A_148 = vector.broadcast %lt3A_147 : i32 to vector<16xi32>
    %lt3A_149 = arith.cmpi slt, %add3A_146, %lt3A_148 : vector<16xi32>
    %add3A_150 = vector.broadcast %mul3A_95 : i32 to vector<16xi32>
    %add3A_151 = arith.addi %add3A_150, %add3A_146 : vector<16xi32>
    %jit3A_152 = arith.constant 5120 : i32
    %broadcast_in_dim3A_153 = vector.broadcast %jit3A_152 : i32 to vector<16xi32>
    %select_n3A_154 = arith.select %lt3A_149, %add3A_151, %broadcast_in_dim3A_153 : vector<16xi1>, vector<16xi32>
    %swap3A_155 = arith.constant 0 : i32
    %swap3A_156 = arith.index_cast %swap3A_155 : i32 to index
    %swap3A_157 = arith.constant 48 : index
    %swap3A_158 = tpu.vector_load %arg13[%swap3A_156, %swap3A_157] {strides = array<i32>} : memref<5x80xi32, #tpu.memory_space<vmem>>, vector<1x16xi32>,
    %swap3A_159 = vector.shape_cast %swap3A_158 : vector<1x16xi32> to vector<16xi32>
    %swap3A_160 = vector.shape_cast %select_n3A_154 : vector<16xi32> to vector<1x16xi32>
    tpu.vector_store %arg13[%swap3A_156, %swap3A_157], %swap3A_160 {strides = array<i32>} : memref<5x80xi32, #tpu.memory_space<vmem>>, vector<1x16xi32>,
    %add3A_161 = arith.constant 64 : i32
    %add3A_162 = vector.broadcast %add3A_161 : i32 to vector<16xi32>
    %add3A_163 = arith.addi %add3A_162, %iota3A : vector<16xi32>
    %lt3A_164 = arith.constant 328 : i32
    %lt3A_165 = vector.broadcast %lt3A_164 : i32 to vector<16xi32>
    %lt3A_166 = arith.cmpi slt, %add3A_163, %lt3A_165 : vector<16xi32>
    %add3A_167 = vector.broadcast %mul3A_95 : i32 to vector<16xi32>
    %add3A_168 = arith.addi %add3A_167, %add3A_163 : vector<16xi32>
    %jit3A_169 = arith.constant 5120 : i32
    %broadcast_in_dim3A_170 = vector.broadcast %jit3A_169 : i32 to vector<16xi32>
    %select_n3A_171 = arith.select %lt3A_166, %add3A_168, %broadcast_in_dim3A_170 : vector<16xi1>, vector<16xi32>
    %swap3A_172 = arith.constant 0 : i32
    %swap3A_173 = arith.index_cast %swap3A_172 : i32 to index
    %swap3A_174 = arith.constant 64 : index
    %swap3A_175 = tpu.vector_load %arg13[%swap3A_173, %swap3A_174] {strides = array<i32>} : memref<5x80xi32, #tpu.memory_space<vmem>>, vector<1x16xi32>,
    %swap3A_176 = vector.shape_cast %swap3A_175 : vector<1x16xi32> to vector<16xi32>
    %swap3A_177 = vector.shape_cast %select_n3A_171 : vector<16xi32> to vector<1x16xi32>
    tpu.vector_store %arg13[%swap3A_173, %swap3A_174], %swap3A_177 {strides = array<i32>} : memref<5x80xi32, #tpu.memory_space<vmem>>, vector<1x16xi32>,
    %add3A_178 = arith.constant 80 : i32
    %add3A_179 = vector.broadcast %add3A_178 : i32 to vector<16xi32>
    %add3A_180 = arith.addi %add3A_179, %iota3A : vector<16xi32>
    %lt3A_181 = arith.constant 328 : i32
    %lt3A_182 = vector.broadcast %lt3A_181 : i32 to vector<16xi32>
    %lt3A_183 = arith.cmpi slt, %add3A_180, %lt3A_182 : vector<16xi32>
    %add3A_184 = vector.broadcast %mul3A_95 : i32 to vector<16xi32>
    %add3A_185 = arith.addi %add3A_184, %add3A_180 : vector<16xi32>
    %jit3A_186 = arith.constant 5120 : i32
    %broadcast_in_dim3A_187 = vector.broadcast %jit3A_186 : i32 to vector<16xi32>
    %select_n3A_188 = arith.select %lt3A_183, %add3A_185, %broadcast_in_dim3A_187 : vector<16xi1>, vector<16xi32>
    %swap3A_189 = arith.constant 1 : i32
    %swap3A_190 = arith.index_cast %swap3A_189 : i32 to index
    %swap3A_191 = arith.constant 0 : index
    %swap3A_192 = tpu.vector_load %arg13[%swap3A_190, %swap3A_191] {strides = array<i32>} : memref<5x80xi32, #tpu.memory_space<vmem>>, vector<1x16xi32>,
    %swap3A_193 = vector.shape_cast %swap3A_192 : vector<1x16xi32> to vector<16xi32>
    %swap3A_194 = vector.shape_cast %select_n3A_188 : vector<16xi32> to vector<1x16xi32>
    tpu.vector_store %arg13[%swap3A_190, %swap3A_191], %swap3A_194 {strides = array<i32>} : memref<5x80xi32, #tpu.memory_space<vmem>>, vector<1x16xi32>,
    %add3A_195 = arith.constant 96 : i32
    %add3A_196 = vector.broadcast %add3A_195 : i32 to vector<16xi32>
    %add3A_197 = arith.addi %add3A_196, %iota3A : vector<16xi32>
    %lt3A_198 = arith.constant 328 : i32
    %lt3A_199 = vector.broadcast %lt3A_198 : i32 to vector<16xi32>
    %lt3A_200 = arith.cmpi slt, %add3A_197, %lt3A_199 : vector<16xi32>
    %add3A_201 = vector.broadcast %mul3A_95 : i32 to vector<16xi32>
    %add3A_202 = arith.addi %add3A_201, %add3A_197 : vector<16xi32>
    %jit3A_203 = arith.constant 5120 : i32
    %broadcast_in_dim3A_204 = vector.broadcast %jit3A_203 : i32 to vector<16xi32>
    %select_n3A_205 = arith.select %lt3A_200, %add3A_202, %broadcast_in_dim3A_204 : vector<16xi1>, vector<16xi32>
    %swap3A_206 = arith.constant 1 : i32
    %swap3A_207 = arith.index_cast %swap3A_206 : i32 to index
    %swap3A_208 = arith.constant 16 : index
    %swap3A_209 = tpu.vector_load %arg13[%swap3A_207, %swap3A_208] {strides = array<i32>} : memref<5x80xi32, #tpu.memory_space<vmem>>, vector<1x16xi32>,
    %swap3A_210 = vector.shape_cast %swap3A_209 : vector<1x16xi32> to vector<16xi32>
    %swap3A_211 = vector.shape_cast %select_n3A_205 : vector<16xi32> to vector<1x16xi32>
    tpu.vector_store %arg13[%swap3A_207, %swap3A_208], %swap3A_211 {strides = array<i32>} : memref<5x80xi32, #tpu.memory_space<vmem>>, vector<1x16xi32>,
    %add3A_212 = arith.constant 112 : i32
    %add3A_213 = vector.broadcast %add3A_212 : i32 to vector<16xi32>
    %add3A_214 = arith.addi %add3A_213, %iota3A : vector<16xi32>
    %lt3A_215 = arith.constant 328 : i32
    %lt3A_216 = vector.broadcast %lt3A_215 : i32 to vector<16xi32>
    %lt3A_217 = arith.cmpi slt, %add3A_214, %lt3A_216 : vector<16xi32>
    %add3A_218 = vector.broadcast %mul3A_95 : i32 to vector<16xi32>
    %add3A_219 = arith.addi %add3A_218, %add3A_214 : vector<16xi32>
    %jit3A_220 = arith.constant 5120 : i32
    %broadcast_in_dim3A_221 = vector.broadcast %jit3A_220 : i32 to vector<16xi32>
    %select_n3A_222 = arith.select %lt3A_217, %add3A_219, %broadcast_in_dim3A_221 : vector<16xi1>, vector<16xi32>
    %swap3A_223 = arith.constant 1 : i32
    %swap3A_224 = arith.index_cast %swap3A_223 : i32 to index
    %swap3A_225 = arith.constant 32 : index
    %swap3A_226 = tpu.vector_load %arg13[%swap3A_224, %swap3A_225] {strides = array<i32>} : memref<5x80xi32, #tpu.memory_space<vmem>>, vector<1x16xi32>,
    %swap3A_227 = vector.shape_cast %swap3A_226 : vector<1x16xi32> to vector<16xi32>
    %swap3A_228 = vector.shape_cast %select_n3A_222 : vector<16xi32> to vector<1x16xi32>
    tpu.vector_store %arg13[%swap3A_224, %swap3A_225], %swap3A_228 {strides = array<i32>} : memref<5x80xi32, #tpu.memory_space<vmem>>, vector<1x16xi32>,
    %add3A_229 = arith.constant 128 : i32
    %add3A_230 = vector.broadcast %add3A_229 : i32 to vector<16xi32>
    %add3A_231 = arith.addi %add3A_230, %iota3A : vector<16xi32>
    %lt3A_232 = arith.constant 328 : i32
    %lt3A_233 = vector.broadcast %lt3A_232 : i32 to vector<16xi32>
    %lt3A_234 = arith.cmpi slt, %add3A_231, %lt3A_233 : vector<16xi32>
    %add3A_235 = vector.broadcast %mul3A_95 : i32 to vector<16xi32>
    %add3A_236 = arith.addi %add3A_235, %add3A_231 : vector<16xi32>
    %jit3A_237 = arith.constant 5120 : i32
    %broadcast_in_dim3A_238 = vector.broadcast %jit3A_237 : i32 to vector<16xi32>
    %select_n3A_239 = arith.select %lt3A_234, %add3A_236, %broadcast_in_dim3A_238 : vector<16xi1>, vector<16xi32>
    %swap3A_240 = arith.constant 1 : i32
    %swap3A_241 = arith.index_cast %swap3A_240 : i32 to index
    %swap3A_242 = arith.constant 48 : index
    %swap3A_243 = tpu.vector_load %arg13[%swap3A_241, %swap3A_242] {strides = array<i32>} : memref<5x80xi32, #tpu.memory_space<vmem>>, vector<1x16xi32>,
    %swap3A_244 = vector.shape_cast %swap3A_243 : vector<1x16xi32> to vector<16xi32>
    %swap3A_245 = vector.shape_cast %select_n3A_239 : vector<16xi32> to vector<1x16xi32>
    tpu.vector_store %arg13[%swap3A_241, %swap3A_242], %swap3A_245 {strides = array<i32>} : memref<5x80xi32, #tpu.memory_space<vmem>>, vector<1x16xi32>,
    %add3A_246 = arith.constant 144 : i32
    %add3A_247 = vector.broadcast %add3A_246 : i32 to vector<16xi32>
    %add3A_248 = arith.addi %add3A_247, %iota3A : vector<16xi32>
    %lt3A_249 = arith.constant 328 : i32
    %lt3A_250 = vector.broadcast %lt3A_249 : i32 to vector<16xi32>
    %lt3A_251 = arith.cmpi slt, %add3A_248, %lt3A_250 : vector<16xi32>
    %add3A_252 = vector.broadcast %mul3A_95 : i32 to vector<16xi32>
    %add3A_253 = arith.addi %add3A_252, %add3A_248 : vector<16xi32>
    %jit3A_254 = arith.constant 5120 : i32
    %broadcast_in_dim3A_255 = vector.broadcast %jit3A_254 : i32 to vector<16xi32>
    %select_n3A_256 = arith.select %lt3A_251, %add3A_253, %broadcast_in_dim3A_255 : vector<16xi1>, vector<16xi32>
    %swap3A_257 = arith.constant 1 : i32
    %swap3A_258 = arith.index_cast %swap3A_257 : i32 to index
    %swap3A_259 = arith.constant 64 : index
    %swap3A_260 = tpu.vector_load %arg13[%swap3A_258, %swap3A_259] {strides = array<i32>} : memref<5x80xi32, #tpu.memory_space<vmem>>, vector<1x16xi32>,
    %swap3A_261 = vector.shape_cast %swap3A_260 : vector<1x16xi32> to vector<16xi32>
    %swap3A_262 = vector.shape_cast %select_n3A_256 : vector<16xi32> to vector<1x16xi32>
    tpu.vector_store %arg13[%swap3A_258, %swap3A_259], %swap3A_262 {strides = array<i32>} : memref<5x80xi32, #tpu.memory_space<vmem>>, vector<1x16xi32>,
    %add3A_263 = arith.constant 160 : i32
    %add3A_264 = vector.broadcast %add3A_263 : i32 to vector<16xi32>
    %add3A_265 = arith.addi %add3A_264, %iota3A : vector<16xi32>
    %lt3A_266 = arith.constant 328 : i32
    %lt3A_267 = vector.broadcast %lt3A_266 : i32 to vector<16xi32>
    %lt3A_268 = arith.cmpi slt, %add3A_265, %lt3A_267 : vector<16xi32>
    %add3A_269 = vector.broadcast %mul3A_95 : i32 to vector<16xi32>
    %add3A_270 = arith.addi %add3A_269, %add3A_265 : vector<16xi32>
    %jit3A_271 = arith.constant 5120 : i32
    %broadcast_in_dim3A_272 = vector.broadcast %jit3A_271 : i32 to vector<16xi32>
    %select_n3A_273 = arith.select %lt3A_268, %add3A_270, %broadcast_in_dim3A_272 : vector<16xi1>, vector<16xi32>
    %swap3A_274 = arith.constant 2 : i32
    %swap3A_275 = arith.index_cast %swap3A_274 : i32 to index
    %swap3A_276 = arith.constant 0 : index
    %swap3A_277 = tpu.vector_load %arg13[%swap3A_275, %swap3A_276] {strides = array<i32>} : memref<5x80xi32, #tpu.memory_space<vmem>>, vector<1x16xi32>,
    %swap3A_278 = vector.shape_cast %swap3A_277 : vector<1x16xi32> to vector<16xi32>
    %swap3A_279 = vector.shape_cast %select_n3A_273 : vector<16xi32> to vector<1x16xi32>
    tpu.vector_store %arg13[%swap3A_275, %swap3A_276], %swap3A_279 {strides = array<i32>} : memref<5x80xi32, #tpu.memory_space<vmem>>, vector<1x16xi32>,
    %add3A_280 = arith.constant 176 : i32
    %add3A_281 = vector.broadcast %add3A_280 : i32 to vector<16xi32>
    %add3A_282 = arith.addi %add3A_281, %iota3A : vector<16xi32>
    %lt3A_283 = arith.constant 328 : i32
    %lt3A_284 = vector.broadcast %lt3A_283 : i32 to vector<16xi32>
    %lt3A_285 = arith.cmpi slt, %add3A_282, %lt3A_284 : vector<16xi32>
    %add3A_286 = vector.broadcast %mul3A_95 : i32 to vector<16xi32>
    %add3A_287 = arith.addi %add3A_286, %add3A_282 : vector<16xi32>
    %jit3A_288 = arith.constant 5120 : i32
    %broadcast_in_dim3A_289 = vector.broadcast %jit3A_288 : i32 to vector<16xi32>
    %select_n3A_290 = arith.select %lt3A_285, %add3A_287, %broadcast_in_dim3A_289 : vector<16xi1>, vector<16xi32>
    %swap3A_291 = arith.constant 2 : i32
    %swap3A_292 = arith.index_cast %swap3A_291 : i32 to index
    %swap3A_293 = arith.constant 16 : index
    %swap3A_294 = tpu.vector_load %arg13[%swap3A_292, %swap3A_293] {strides = array<i32>} : memref<5x80xi32, #tpu.memory_space<vmem>>, vector<1x16xi32>,
    %swap3A_295 = vector.shape_cast %swap3A_294 : vector<1x16xi32> to vector<16xi32>
    %swap3A_296 = vector.shape_cast %select_n3A_290 : vector<16xi32> to vector<1x16xi32>
    tpu.vector_store %arg13[%swap3A_292, %swap3A_293], %swap3A_296 {strides = array<i32>} : memref<5x80xi32, #tpu.memory_space<vmem>>, vector<1x16xi32>,
    %add3A_297 = arith.constant 192 : i32
    %add3A_298 = vector.broadcast %add3A_297 : i32 to vector<16xi32>
    %add3A_299 = arith.addi %add3A_298, %iota3A : vector<16xi32>
    %lt3A_300 = arith.constant 328 : i32
    %lt3A_301 = vector.broadcast %lt3A_300 : i32 to vector<16xi32>
    %lt3A_302 = arith.cmpi slt, %add3A_299, %lt3A_301 : vector<16xi32>
    %add3A_303 = vector.broadcast %mul3A_95 : i32 to vector<16xi32>
    %add3A_304 = arith.addi %add3A_303, %add3A_299 : vector<16xi32>
    %jit3A_305 = arith.constant 5120 : i32
    %broadcast_in_dim3A_306 = vector.broadcast %jit3A_305 : i32 to vector<16xi32>
    %select_n3A_307 = arith.select %lt3A_302, %add3A_304, %broadcast_in_dim3A_306 : vector<16xi1>, vector<16xi32>
    %swap3A_308 = arith.constant 2 : i32
    %swap3A_309 = arith.index_cast %swap3A_308 : i32 to index
    %swap3A_310 = arith.constant 32 : index
    %swap3A_311 = tpu.vector_load %arg13[%swap3A_309, %swap3A_310] {strides = array<i32>} : memref<5x80xi32, #tpu.memory_space<vmem>>, vector<1x16xi32>,
    %swap3A_312 = vector.shape_cast %swap3A_311 : vector<1x16xi32> to vector<16xi32>
    %swap3A_313 = vector.shape_cast %select_n3A_307 : vector<16xi32> to vector<1x16xi32>
    tpu.vector_store %arg13[%swap3A_309, %swap3A_310], %swap3A_313 {strides = array<i32>} : memref<5x80xi32, #tpu.memory_space<vmem>>, vector<1x16xi32>,
    %add3A_314 = arith.constant 208 : i32
    %add3A_315 = vector.broadcast %add3A_314 : i32 to vector<16xi32>
    %add3A_316 = arith.addi %add3A_315, %iota3A : vector<16xi32>
    %lt3A_317 = arith.constant 328 : i32
    %lt3A_318 = vector.broadcast %lt3A_317 : i32 to vector<16xi32>
    %lt3A_319 = arith.cmpi slt, %add3A_316, %lt3A_318 : vector<16xi32>
    %add3A_320 = vector.broadcast %mul3A_95 : i32 to vector<16xi32>
    %add3A_321 = arith.addi %add3A_320, %add3A_316 : vector<16xi32>
    %jit3A_322 = arith.constant 5120 : i32
    %broadcast_in_dim3A_323 = vector.broadcast %jit3A_322 : i32 to vector<16xi32>
    %select_n3A_324 = arith.select %lt3A_319, %add3A_321, %broadcast_in_dim3A_323 : vector<16xi1>, vector<16xi32>
    %swap3A_325 = arith.constant 2 : i32
    %swap3A_326 = arith.index_cast %swap3A_325 : i32 to index
    %swap3A_327 = arith.constant 48 : index
    %swap3A_328 = tpu.vector_load %arg13[%swap3A_326, %swap3A_327] {strides = array<i32>} : memref<5x80xi32, #tpu.memory_space<vmem>>, vector<1x16xi32>,
    %swap3A_329 = vector.shape_cast %swap3A_328 : vector<1x16xi32> to vector<16xi32>
    %swap3A_330 = vector.shape_cast %select_n3A_324 : vector<16xi32> to vector<1x16xi32>
    tpu.vector_store %arg13[%swap3A_326, %swap3A_327], %swap3A_330 {strides = array<i32>} : memref<5x80xi32, #tpu.memory_space<vmem>>, vector<1x16xi32>,
    %add3A_331 = arith.constant 224 : i32
    %add3A_332 = vector.broadcast %add3A_331 : i32 to vector<16xi32>
    %add3A_333 = arith.addi %add3A_332, %iota3A : vector<16xi32>
    %lt3A_334 = arith.constant 328 : i32
    %lt3A_335 = vector.broadcast %lt3A_334 : i32 to vector<16xi32>
    %lt3A_336 = arith.cmpi slt, %add3A_333, %lt3A_335 : vector<16xi32>
    %add3A_337 = vector.broadcast %mul3A_95 : i32 to vector<16xi32>
    %add3A_338 = arith.addi %add3A_337, %add3A_333 : vector<16xi32>
    %jit3A_339 = arith.constant 5120 : i32
    %broadcast_in_dim3A_340 = vector.broadcast %jit3A_339 : i32 to vector<16xi32>
    %select_n3A_341 = arith.select %lt3A_336, %add3A_338, %broadcast_in_dim3A_340 : vector<16xi1>, vector<16xi32>
    %swap3A_342 = arith.constant 2 : i32
    %swap3A_343 = arith.index_cast %swap3A_342 : i32 to index
    %swap3A_344 = arith.constant 64 : index
    %swap3A_345 = tpu.vector_load %arg13[%swap3A_343, %swap3A_344] {strides = array<i32>} : memref<5x80xi32, #tpu.memory_space<vmem>>, vector<1x16xi32>,
    %swap3A_346 = vector.shape_cast %swap3A_345 : vector<1x16xi32> to vector<16xi32>
    %swap3A_347 = vector.shape_cast %select_n3A_341 : vector<16xi32> to vector<1x16xi32>
    tpu.vector_store %arg13[%swap3A_343, %swap3A_344], %swap3A_347 {strides = array<i32>} : memref<5x80xi32, #tpu.memory_space<vmem>>, vector<1x16xi32>,
    %add3A_348 = arith.constant 240 : i32
    %add3A_349 = vector.broadcast %add3A_348 : i32 to vector<16xi32>
    %add3A_350 = arith.addi %add3A_349, %iota3A : vector<16xi32>
    %lt3A_351 = arith.constant 328 : i32
    %lt3A_352 = vector.broadcast %lt3A_351 : i32 to vector<16xi32>
    %lt3A_353 = arith.cmpi slt, %add3A_350, %lt3A_352 : vector<16xi32>
    %add3A_354 = vector.broadcast %mul3A_95 : i32 to vector<16xi32>
    %add3A_355 = arith.addi %add3A_354, %add3A_350 : vector<16xi32>
    %jit3A_356 = arith.constant 5120 : i32
    %broadcast_in_dim3A_357 = vector.broadcast %jit3A_356 : i32 to vector<16xi32>
    %select_n3A_358 = arith.select %lt3A_353, %add3A_355, %broadcast_in_dim3A_357 : vector<16xi1>, vector<16xi32>
    %swap3A_359 = arith.constant 3 : i32
    %swap3A_360 = arith.index_cast %swap3A_359 : i32 to index
    %swap3A_361 = arith.constant 0 : index
    %swap3A_362 = tpu.vector_load %arg13[%swap3A_360, %swap3A_361] {strides = array<i32>} : memref<5x80xi32, #tpu.memory_space<vmem>>, vector<1x16xi32>,
    %swap3A_363 = vector.shape_cast %swap3A_362 : vector<1x16xi32> to vector<16xi32>
    %swap3A_364 = vector.shape_cast %select_n3A_358 : vector<16xi32> to vector<1x16xi32>
    tpu.vector_store %arg13[%swap3A_360, %swap3A_361], %swap3A_364 {strides = array<i32>} : memref<5x80xi32, #tpu.memory_space<vmem>>, vector<1x16xi32>,
    %add3A_365 = arith.constant 256 : i32
    %add3A_366 = vector.broadcast %add3A_365 : i32 to vector<16xi32>
    %add3A_367 = arith.addi %add3A_366, %iota3A : vector<16xi32>
    %lt3A_368 = arith.constant 328 : i32
    %lt3A_369 = vector.broadcast %lt3A_368 : i32 to vector<16xi32>
    %lt3A_370 = arith.cmpi slt, %add3A_367, %lt3A_369 : vector<16xi32>
    %add3A_371 = vector.broadcast %mul3A_95 : i32 to vector<16xi32>
    %add3A_372 = arith.addi %add3A_371, %add3A_367 : vector<16xi32>
    %jit3A_373 = arith.constant 5120 : i32
    %broadcast_in_dim3A_374 = vector.broadcast %jit3A_373 : i32 to vector<16xi32>
    %select_n3A_375 = arith.select %lt3A_370, %add3A_372, %broadcast_in_dim3A_374 : vector<16xi1>, vector<16xi32>
    %swap3A_376 = arith.constant 3 : i32
    %swap3A_377 = arith.index_cast %swap3A_376 : i32 to index
    %swap3A_378 = arith.constant 16 : index
    %swap3A_379 = tpu.vector_load %arg13[%swap3A_377, %swap3A_378] {strides = array<i32>} : memref<5x80xi32, #tpu.memory_space<vmem>>, vector<1x16xi32>,
    %swap3A_380 = vector.shape_cast %swap3A_379 : vector<1x16xi32> to vector<16xi32>
    %swap3A_381 = vector.shape_cast %select_n3A_375 : vector<16xi32> to vector<1x16xi32>
    tpu.vector_store %arg13[%swap3A_377, %swap3A_378], %swap3A_381 {strides = array<i32>} : memref<5x80xi32, #tpu.memory_space<vmem>>, vector<1x16xi32>,
    %add3A_382 = arith.constant 272 : i32
    %add3A_383 = vector.broadcast %add3A_382 : i32 to vector<16xi32>
    %add3A_384 = arith.addi %add3A_383, %iota3A : vector<16xi32>
    %lt3A_385 = arith.constant 328 : i32
    %lt3A_386 = vector.broadcast %lt3A_385 : i32 to vector<16xi32>
    %lt3A_387 = arith.cmpi slt, %add3A_384, %lt3A_386 : vector<16xi32>
    %add3A_388 = vector.broadcast %mul3A_95 : i32 to vector<16xi32>
    %add3A_389 = arith.addi %add3A_388, %add3A_384 : vector<16xi32>
    %jit3A_390 = arith.constant 5120 : i32
    %broadcast_in_dim3A_391 = vector.broadcast %jit3A_390 : i32 to vector<16xi32>
    %select_n3A_392 = arith.select %lt3A_387, %add3A_389, %broadcast_in_dim3A_391 : vector<16xi1>, vector<16xi32>
    %swap3A_393 = arith.constant 3 : i32
    %swap3A_394 = arith.index_cast %swap3A_393 : i32 to index
    %swap3A_395 = arith.constant 32 : index
    %swap3A_396 = tpu.vector_load %arg13[%swap3A_394, %swap3A_395] {strides = array<i32>} : memref<5x80xi32, #tpu.memory_space<vmem>>, vector<1x16xi32>,
    %swap3A_397 = vector.shape_cast %swap3A_396 : vector<1x16xi32> to vector<16xi32>
    %swap3A_398 = vector.shape_cast %select_n3A_392 : vector<16xi32> to vector<1x16xi32>
    tpu.vector_store %arg13[%swap3A_394, %swap3A_395], %swap3A_398 {strides = array<i32>} : memref<5x80xi32, #tpu.memory_space<vmem>>, vector<1x16xi32>,
    %add3A_399 = arith.constant 288 : i32
    %add3A_400 = vector.broadcast %add3A_399 : i32 to vector<16xi32>
    %add3A_401 = arith.addi %add3A_400, %iota3A : vector<16xi32>
    %lt3A_402 = arith.constant 328 : i32
    %lt3A_403 = vector.broadcast %lt3A_402 : i32 to vector<16xi32>
    %lt3A_404 = arith.cmpi slt, %add3A_401, %lt3A_403 : vector<16xi32>
    %add3A_405 = vector.broadcast %mul3A_95 : i32 to vector<16xi32>
    %add3A_406 = arith.addi %add3A_405, %add3A_401 : vector<16xi32>
    %jit3A_407 = arith.constant 5120 : i32
    %broadcast_in_dim3A_408 = vector.broadcast %jit3A_407 : i32 to vector<16xi32>
    %select_n3A_409 = arith.select %lt3A_404, %add3A_406, %broadcast_in_dim3A_408 : vector<16xi1>, vector<16xi32>
    %swap3A_410 = arith.constant 3 : i32
    %swap3A_411 = arith.index_cast %swap3A_410 : i32 to index
    %swap3A_412 = arith.constant 48 : index
    %swap3A_413 = tpu.vector_load %arg13[%swap3A_411, %swap3A_412] {strides = array<i32>} : memref<5x80xi32, #tpu.memory_space<vmem>>, vector<1x16xi32>,
    %swap3A_414 = vector.shape_cast %swap3A_413 : vector<1x16xi32> to vector<16xi32>
    %swap3A_415 = vector.shape_cast %select_n3A_409 : vector<16xi32> to vector<1x16xi32>
    tpu.vector_store %arg13[%swap3A_411, %swap3A_412], %swap3A_415 {strides = array<i32>} : memref<5x80xi32, #tpu.memory_space<vmem>>, vector<1x16xi32>,
    %add3A_416 = arith.constant 304 : i32
    %add3A_417 = vector.broadcast %add3A_416 : i32 to vector<16xi32>
    %add3A_418 = arith.addi %add3A_417, %iota3A : vector<16xi32>
    %lt3A_419 = arith.constant 328 : i32
    %lt3A_420 = vector.broadcast %lt3A_419 : i32 to vector<16xi32>
    %lt3A_421 = arith.cmpi slt, %add3A_418, %lt3A_420 : vector<16xi32>
    %add3A_422 = vector.broadcast %mul3A_95 : i32 to vector<16xi32>
    %add3A_423 = arith.addi %add3A_422, %add3A_418 : vector<16xi32>
    %jit3A_424 = arith.constant 5120 : i32
    %broadcast_in_dim3A_425 = vector.broadcast %jit3A_424 : i32 to vector<16xi32>
    %select_n3A_426 = arith.select %lt3A_421, %add3A_423, %broadcast_in_dim3A_425 : vector<16xi1>, vector<16xi32>
    %swap3A_427 = arith.constant 3 : i32
    %swap3A_428 = arith.index_cast %swap3A_427 : i32 to index
    %swap3A_429 = arith.constant 64 : index
    %swap3A_430 = tpu.vector_load %arg13[%swap3A_428, %swap3A_429] {strides = array<i32>} : memref<5x80xi32, #tpu.memory_space<vmem>>, vector<1x16xi32>,
    %swap3A_431 = vector.shape_cast %swap3A_430 : vector<1x16xi32> to vector<16xi32>
    %swap3A_432 = vector.shape_cast %select_n3A_426 : vector<16xi32> to vector<1x16xi32>
    tpu.vector_store %arg13[%swap3A_428, %swap3A_429], %swap3A_432 {strides = array<i32>} : memref<5x80xi32, #tpu.memory_space<vmem>>, vector<1x16xi32>,
    %add3A_433 = arith.constant 320 : i32
    %add3A_434 = vector.broadcast %add3A_433 : i32 to vector<16xi32>
    %add3A_435 = arith.addi %add3A_434, %iota3A : vector<16xi32>
    %lt3A_436 = arith.constant 328 : i32
    %lt3A_437 = vector.broadcast %lt3A_436 : i32 to vector<16xi32>
    %lt3A_438 = arith.cmpi slt, %add3A_435, %lt3A_437 : vector<16xi32>
    %add3A_439 = vector.broadcast %mul3A_95 : i32 to vector<16xi32>
    %add3A_440 = arith.addi %add3A_439, %add3A_435 : vector<16xi32>
    %jit3A_441 = arith.constant 5120 : i32
    %broadcast_in_dim3A_442 = vector.broadcast %jit3A_441 : i32 to vector<16xi32>
    %select_n3A_443 = arith.select %lt3A_438, %add3A_440, %broadcast_in_dim3A_442 : vector<16xi1>, vector<16xi32>
    %swap3A_444 = arith.constant 4 : i32
    %swap3A_445 = arith.index_cast %swap3A_444 : i32 to index
    %swap3A_446 = arith.constant 0 : index
    %swap3A_447 = tpu.vector_load %arg13[%swap3A_445, %swap3A_446] {strides = array<i32>} : memref<5x80xi32, #tpu.memory_space<vmem>>, vector<1x16xi32>,
    %swap3A_448 = vector.shape_cast %swap3A_447 : vector<1x16xi32> to vector<16xi32>
    %swap3A_449 = vector.shape_cast %select_n3A_443 : vector<16xi32> to vector<1x16xi32>
    tpu.vector_store %arg13[%swap3A_445, %swap3A_446], %swap3A_449 {strides = array<i32>} : memref<5x80xi32, #tpu.memory_space<vmem>>, vector<1x16xi32>,
    %add3A_450 = arith.constant 336 : i32
    %add3A_451 = vector.broadcast %add3A_450 : i32 to vector<16xi32>
    %add3A_452 = arith.addi %add3A_451, %iota3A : vector<16xi32>
    %lt3A_453 = arith.constant 328 : i32
    %lt3A_454 = vector.broadcast %lt3A_453 : i32 to vector<16xi32>
    %lt3A_455 = arith.cmpi slt, %add3A_452, %lt3A_454 : vector<16xi32>
    %add3A_456 = vector.broadcast %mul3A_95 : i32 to vector<16xi32>
    %add3A_457 = arith.addi %add3A_456, %add3A_452 : vector<16xi32>
    %jit3A_458 = arith.constant 5120 : i32
    %broadcast_in_dim3A_459 = vector.broadcast %jit3A_458 : i32 to vector<16xi32>
    %select_n3A_460 = arith.select %lt3A_455, %add3A_457, %broadcast_in_dim3A_459 : vector<16xi1>, vector<16xi32>
    %swap3A_461 = arith.constant 4 : i32
    %swap3A_462 = arith.index_cast %swap3A_461 : i32 to index
    %swap3A_463 = arith.constant 16 : index
    %swap3A_464 = tpu.vector_load %arg13[%swap3A_462, %swap3A_463] {strides = array<i32>} : memref<5x80xi32, #tpu.memory_space<vmem>>, vector<1x16xi32>,
    %swap3A_465 = vector.shape_cast %swap3A_464 : vector<1x16xi32> to vector<16xi32>
    %swap3A_466 = vector.shape_cast %select_n3A_460 : vector<16xi32> to vector<1x16xi32>
    tpu.vector_store %arg13[%swap3A_462, %swap3A_463], %swap3A_466 {strides = array<i32>} : memref<5x80xi32, #tpu.memory_space<vmem>>, vector<1x16xi32>,
    %add3A_467 = arith.constant 352 : i32
    %add3A_468 = vector.broadcast %add3A_467 : i32 to vector<16xi32>
    %add3A_469 = arith.addi %add3A_468, %iota3A : vector<16xi32>
    %lt3A_470 = arith.constant 328 : i32
    %lt3A_471 = vector.broadcast %lt3A_470 : i32 to vector<16xi32>
    %lt3A_472 = arith.cmpi slt, %add3A_469, %lt3A_471 : vector<16xi32>
    %add3A_473 = vector.broadcast %mul3A_95 : i32 to vector<16xi32>
    %add3A_474 = arith.addi %add3A_473, %add3A_469 : vector<16xi32>
    %jit3A_475 = arith.constant 5120 : i32
    %broadcast_in_dim3A_476 = vector.broadcast %jit3A_475 : i32 to vector<16xi32>
    %select_n3A_477 = arith.select %lt3A_472, %add3A_474, %broadcast_in_dim3A_476 : vector<16xi1>, vector<16xi32>
    %swap3A_478 = arith.constant 4 : i32
    %swap3A_479 = arith.index_cast %swap3A_478 : i32 to index
    %swap3A_480 = arith.constant 32 : index
    %swap3A_481 = tpu.vector_load %arg13[%swap3A_479, %swap3A_480] {strides = array<i32>} : memref<5x80xi32, #tpu.memory_space<vmem>>, vector<1x16xi32>,
    %swap3A_482 = vector.shape_cast %swap3A_481 : vector<1x16xi32> to vector<16xi32>
    %swap3A_483 = vector.shape_cast %select_n3A_477 : vector<16xi32> to vector<1x16xi32>
    tpu.vector_store %arg13[%swap3A_479, %swap3A_480], %swap3A_483 {strides = array<i32>} : memref<5x80xi32, #tpu.memory_space<vmem>>, vector<1x16xi32>,
    %add3A_484 = arith.constant 368 : i32
    %add3A_485 = vector.broadcast %add3A_484 : i32 to vector<16xi32>
    %add3A_486 = arith.addi %add3A_485, %iota3A : vector<16xi32>
    %lt3A_487 = arith.constant 328 : i32
    %lt3A_488 = vector.broadcast %lt3A_487 : i32 to vector<16xi32>
    %lt3A_489 = arith.cmpi slt, %add3A_486, %lt3A_488 : vector<16xi32>
    %add3A_490 = vector.broadcast %mul3A_95 : i32 to vector<16xi32>
    %add3A_491 = arith.addi %add3A_490, %add3A_486 : vector<16xi32>
    %jit3A_492 = arith.constant 5120 : i32
    %broadcast_in_dim3A_493 = vector.broadcast %jit3A_492 : i32 to vector<16xi32>
    %select_n3A_494 = arith.select %lt3A_489, %add3A_491, %broadcast_in_dim3A_493 : vector<16xi1>, vector<16xi32>
    %swap3A_495 = arith.constant 4 : i32
    %swap3A_496 = arith.index_cast %swap3A_495 : i32 to index
    %swap3A_497 = arith.constant 48 : index
    %swap3A_498 = tpu.vector_load %arg13[%swap3A_496, %swap3A_497] {strides = array<i32>} : memref<5x80xi32, #tpu.memory_space<vmem>>, vector<1x16xi32>,
    %swap3A_499 = vector.shape_cast %swap3A_498 : vector<1x16xi32> to vector<16xi32>
    %swap3A_500 = vector.shape_cast %select_n3A_494 : vector<16xi32> to vector<1x16xi32>
    tpu.vector_store %arg13[%swap3A_496, %swap3A_497], %swap3A_500 {strides = array<i32>} : memref<5x80xi32, #tpu.memory_space<vmem>>, vector<1x16xi32>,
    %add3A_501 = arith.constant 384 : i32
    %add3A_502 = vector.broadcast %add3A_501 : i32 to vector<16xi32>
    %add3A_503 = arith.addi %add3A_502, %iota3A : vector<16xi32>
    %lt3A_504 = arith.constant 328 : i32
    %lt3A_505 = vector.broadcast %lt3A_504 : i32 to vector<16xi32>
    %lt3A_506 = arith.cmpi slt, %add3A_503, %lt3A_505 : vector<16xi32>
    %add3A_507 = vector.broadcast %mul3A_95 : i32 to vector<16xi32>
    %add3A_508 = arith.addi %add3A_507, %add3A_503 : vector<16xi32>
    %jit3A_509 = arith.constant 5120 : i32
    %broadcast_in_dim3A_510 = vector.broadcast %jit3A_509 : i32 to vector<16xi32>
    %select_n3A_511 = arith.select %lt3A_506, %add3A_508, %broadcast_in_dim3A_510 : vector<16xi1>, vector<16xi32>
    %swap3A_512 = arith.constant 4 : i32
    %swap3A_513 = arith.index_cast %swap3A_512 : i32 to index
    %swap3A_514 = arith.constant 64 : index
    %swap3A_515 = tpu.vector_load %arg13[%swap3A_513, %swap3A_514] {strides = array<i32>} : memref<5x80xi32, #tpu.memory_space<vmem>>, vector<1x16xi32>,
    %swap3A_516 = vector.shape_cast %swap3A_515 : vector<1x16xi32> to vector<16xi32>
    %swap3A_517 = vector.shape_cast %select_n3A_511 : vector<16xi32> to vector<1x16xi32>
    tpu.vector_store %arg13[%swap3A_513, %swap3A_514], %swap3A_517 {strides = array<i32>} : memref<5x80xi32, #tpu.memory_space<vmem>>, vector<1x16xi32>,
    %scan3A_518 = arith.constant 0 : i32
    %scan3A_519 = arith.constant 5 : i32
    %scan3A_520 = arith.addi %scan3A_518, %scan3A_519 : i32
    %scan3A_521 = arith.constant 1 : i32
    scf.for %scan3A_577 = %scan3A_518 to %scan3A_520 step %scan3A_521  : i32 {
      %mul3A_578 = arith.constant 1 : i32
      %mul3A_579 = arith.muli %scan3A_577, %mul3A_578 : i32
      %add3A_580 = arith.constant 0 : i32
      %add3A_581 = arith.addi %add3A_580, %mul3A_579 : i32
      "tpu.region"() ({
        %run_scoped3A_582 = tpu.sem_alloc : memref<!tpu.dma_semaphore, #tpu.memory_space<semaphore_mem>>
        %dma_start3A = arith.constant 0 : i32
        %dma_start3A_583 = tpu.memref_slice %arg13[%add3A_581, %dma_start3A] : memref<5x80xi32, #tpu.memory_space<vmem>> -> memref<1x80xi32, #tpu.memory_space<vmem>>
        %dma_start3A_584 = tpu.memref_squeeze %dma_start3A_583 : memref<1x80xi32, #tpu.memory_space<vmem>> -> memref<80xi32, #tpu.memory_space<vmem>>
        %dma_start3A_585 = arith.constant 0 : i32
        %dma_start3A_586 = arith.constant 0 : i32
        %dma_start3A_587 = tpu.memref_slice %arg15[%dma_start3A_585, %dma_start3A_586] : memref<5248x128xf32, #tpu.memory_space<vmem_shared>> -> memref<5248x128xf32, #tpu.memory_space<vmem_shared>>
        tpu.enqueue_indirect_dma source(%arg11 : memref<80x128xf32, #tpu.memory_space<vmem>>) target(%dma_start3A_587 : memref<5248x128xf32, #tpu.memory_space<vmem_shared>>) offsets(%dma_start3A_584 : memref<80xi32, #tpu.memory_space<vmem>>) semaphore(%run_scoped3A_582 : memref<!tpu.dma_semaphore, #tpu.memory_space<semaphore_mem>>)
        %dma_wait3A = arith.constant 0 : i32
        %dma_wait3A_588 = tpu.memref_slice %arg13[%add3A_581, %dma_wait3A] : memref<5x80xi32, #tpu.memory_space<vmem>> -> memref<1x80xi32, #tpu.memory_space<vmem>>
        %dma_wait3A_589 = tpu.memref_squeeze %dma_wait3A_588 : memref<1x80xi32, #tpu.memory_space<vmem>> -> memref<80xi32, #tpu.memory_space<vmem>>
        %dma_wait3A_590 = arith.constant 0 : i32
        %dma_wait3A_591 = arith.constant 0 : i32
        %dma_wait3A_592 = tpu.memref_slice %arg15[%dma_wait3A_590, %dma_wait3A_591] : memref<5248x128xf32, #tpu.memory_space<vmem_shared>> -> memref<5248x128xf32, #tpu.memory_space<vmem_shared>>
        tpu.wait_indirect_dma semaphore(%run_scoped3A_582 : memref<!tpu.dma_semaphore, #tpu.memory_space<semaphore_mem>>) src(%arg11 : memref<80x128xf32, #tpu.memory_space<vmem>>) dst(%dma_wait3A_592 : memref<5248x128xf32, #tpu.memory_space<vmem_shared>>)
        tpu.yield
      }) : () -> ()
    }
    %scan3A_522 = arith.constant 5 : i32
    %barrier3A = arith.constant 0 : index
    tpu.barrier barrier_id(%barrier3A)
    %sub3A_523 = arith.constant 0 : i32
    %sub3A_524 = arith.subi %mul3A_85, %sub3A_523 : i32
    %sub3A_525 = arith.constant 1 : i32
    %sub3A_526 = arith.constant 1 : i32
    %sub3A_527 = arith.subi %sub3A_525, %sub3A_526 : i32
    %add3A_528 = arith.addi %sub3A_524, %sub3A_527 : i32
    %div3A_529 = arith.constant 1 : i32
    %div3A_530 = arith.divsi %add3A_528, %div3A_529 : i32
    %while3A = arith.constant 1 : i32
    %while3A_531 = arith.constant 0 : i32
    %while3A_532 = arith.constant 0 : i32
    %while3A_533 = arith.subi %div3A_530, %while3A_532 : i32
    %while3A_534 = arith.addi %while3A_532, %while3A_533 : i32
    %while3A_535 = arith.constant 1 : i32
    %while3A_536 = arith.divsi %while3A_533, %while3A_535 : i32
    %while3A_537 = arith.muli %while3A_536, %while3A_535 : i32
    %while3A_538 = arith.addi %while3A_532, %while3A_537 : i32
    %while3A_539 = arith.constant 1 : i32
    scf.for %while3A_577 = %while3A_532 to %while3A_538 step %while3A_539  : i32 {
      %mul3A_578 = arith.muli %while3A_577, %while3A : i32
      %add3A_579 = arith.addi %while3A_531, %mul3A_578 : i32
      "tpu.region"() ({
        %run_scoped3A_580 = tpu.sem_alloc : memref<!tpu.dma_semaphore, #tpu.memory_space<semaphore_mem>>
        %dma_start3A = arith.constant 0 : i32
        %dma_start3A_581 = tpu.memref_slice %arg10[%add3A_579, %dma_start3A] : memref<256x80xi32, #tpu.memory_space<vmem>> -> memref<1x80xi32, #tpu.memory_space<vmem>>
        %dma_start3A_582 = tpu.memref_squeeze %dma_start3A_581 : memref<1x80xi32, #tpu.memory_space<vmem>> -> memref<80xi32, #tpu.memory_space<vmem>>
        %dma_start3A_583 = arith.constant 0 : i32
        %dma_start3A_584 = arith.constant 0 : i32
        %dma_start3A_585 = tpu.memref_slice %arg15[%dma_start3A_583, %dma_start3A_584] : memref<5248x128xf32, #tpu.memory_space<vmem_shared>> -> memref<5248x128xf32, #tpu.memory_space<vmem_shared>>
        tpu.enqueue_indirect_dma source(%arg12 : memref<80x128xf32, #tpu.memory_space<vmem>>) target(%dma_start3A_585 : memref<5248x128xf32, #tpu.memory_space<vmem_shared>>) offsets(%dma_start3A_582 : memref<80xi32, #tpu.memory_space<vmem>>) semaphore(%run_scoped3A_580 : memref<!tpu.dma_semaphore, #tpu.memory_space<semaphore_mem>>) {add = true}
        %dma_wait3A = arith.constant 0 : i32
        %dma_wait3A_586 = tpu.memref_slice %arg10[%add3A_579, %dma_wait3A] : memref<256x80xi32, #tpu.memory_space<vmem>> -> memref<1x80xi32, #tpu.memory_space<vmem>>
        %dma_wait3A_587 = tpu.memref_squeeze %dma_wait3A_586 : memref<1x80xi32, #tpu.memory_space<vmem>> -> memref<80xi32, #tpu.memory_space<vmem>>
        %dma_wait3A_588 = arith.constant 0 : i32
        %dma_wait3A_589 = arith.constant 0 : i32
        %dma_wait3A_590 = tpu.memref_slice %arg15[%dma_wait3A_588, %dma_wait3A_589] : memref<5248x128xf32, #tpu.memory_space<vmem_shared>> -> memref<5248x128xf32, #tpu.memory_space<vmem_shared>>
        tpu.wait_indirect_dma semaphore(%run_scoped3A_580 : memref<!tpu.dma_semaphore, #tpu.memory_space<semaphore_mem>>) src(%arg12 : memref<80x128xf32, #tpu.memory_space<vmem>>) dst(%dma_wait3A_590 : memref<5248x128xf32, #tpu.memory_space<vmem_shared>>)
        tpu.yield
      }) : () -> ()
    }
    %while3A_540 = arith.constant 1 : i32
    scf.for %while3A_577 = %while3A_538 to %while3A_534 step %while3A_540  : i32 {
      %mul3A_578 = arith.muli %while3A_577, %while3A : i32
      %add3A_579 = arith.addi %while3A_531, %mul3A_578 : i32
      "tpu.region"() ({
        %run_scoped3A_580 = tpu.sem_alloc : memref<!tpu.dma_semaphore, #tpu.memory_space<semaphore_mem>>
        %dma_start3A = arith.constant 0 : i32
        %dma_start3A_581 = tpu.memref_slice %arg10[%add3A_579, %dma_start3A] : memref<256x80xi32, #tpu.memory_space<vmem>> -> memref<1x80xi32, #tpu.memory_space<vmem>>
        %dma_start3A_582 = tpu.memref_squeeze %dma_start3A_581 : memref<1x80xi32, #tpu.memory_space<vmem>> -> memref<80xi32, #tpu.memory_space<vmem>>
        %dma_start3A_583 = arith.constant 0 : i32
        %dma_start3A_584 = arith.constant 0 : i32
        %dma_start3A_585 = tpu.memref_slice %arg15[%dma_start3A_583, %dma_start3A_584] : memref<5248x128xf32, #tpu.memory_space<vmem_shared>> -> memref<5248x128xf32, #tpu.memory_space<vmem_shared>>
        tpu.enqueue_indirect_dma source(%arg12 : memref<80x128xf32, #tpu.memory_space<vmem>>) target(%dma_start3A_585 : memref<5248x128xf32, #tpu.memory_space<vmem_shared>>) offsets(%dma_start3A_582 : memref<80xi32, #tpu.memory_space<vmem>>) semaphore(%run_scoped3A_580 : memref<!tpu.dma_semaphore, #tpu.memory_space<semaphore_mem>>) {add = true}
        %dma_wait3A = arith.constant 0 : i32
        %dma_wait3A_586 = tpu.memref_slice %arg10[%add3A_579, %dma_wait3A] : memref<256x80xi32, #tpu.memory_space<vmem>> -> memref<1x80xi32, #tpu.memory_space<vmem>>
        %dma_wait3A_587 = tpu.memref_squeeze %dma_wait3A_586 : memref<1x80xi32, #tpu.memory_space<vmem>> -> memref<80xi32, #tpu.memory_space<vmem>>
        %dma_wait3A_588 = arith.constant 0 : i32
        %dma_wait3A_589 = arith.constant 0 : i32
        %dma_wait3A_590 = tpu.memref_slice %arg15[%dma_wait3A_588, %dma_wait3A_589] : memref<5248x128xf32, #tpu.memory_space<vmem_shared>> -> memref<5248x128xf32, #tpu.memory_space<vmem_shared>>
        tpu.wait_indirect_dma semaphore(%run_scoped3A_580 : memref<!tpu.dma_semaphore, #tpu.memory_space<semaphore_mem>>) src(%arg12 : memref<80x128xf32, #tpu.memory_space<vmem>>) dst(%dma_wait3A_590 : memref<5248x128xf32, #tpu.memory_space<vmem_shared>>)
        tpu.yield
      }) : () -> ()
    }
    %barrier3A_541 = arith.constant 0 : index
    tpu.barrier barrier_id(%barrier3A_541)
    %scan3A_542 = arith.constant 0 : i32
    %scan3A_543 = arith.constant 4 : i32
    %scan3A_544 = arith.addi %scan3A_542, %scan3A_543 : i32
    %scan3A_545 = arith.constant 1 : i32
    scf.for %scan3A_577 = %scan3A_542 to %scan3A_544 step %scan3A_545  : i32 {
      %mul3A_578 = arith.constant 1 : i32
      %mul3A_579 = arith.muli %scan3A_577, %mul3A_578 : i32
      %add3A_580 = arith.constant 0 : i32
      %add3A_581 = arith.addi %add3A_580, %mul3A_579 : i32
      %mul3A_582 = arith.constant 80 : i32
      %mul3A_583 = arith.muli %add3A_581, %mul3A_582 : i32
      %add3A_584 = arith.addi %mul3A_95, %mul3A_583 : i32
      %multiple_of3A_585 = tpu.assume_multiple %add3A_584, 8 : i32
      "tpu.region"() ({
        %run_scoped3A_587 = tpu.sem_alloc : memref<!tpu.dma_semaphore, #tpu.memory_space<semaphore_mem>>
        %dma_start3A = arith.constant 0 : i32
        %dma_start3A_588 = tpu.memref_slice %arg15[%multiple_of3A_585, %dma_start3A] : memref<5248x128xf32, #tpu.memory_space<vmem_shared>> -> memref<80x128xf32, #tpu.memory_space<vmem_shared>>
        %dma_start3A_589 = arith.constant 0 : i32
        %dma_start3A_590 = tpu.memref_slice %arg15[%multiple_of3A_585, %dma_start3A_589] : memref<5248x128xf32, #tpu.memory_space<vmem_shared>> -> memref<80x128xf32, #tpu.memory_space<vmem_shared>>
        tpu.enqueue_dma source(%dma_start3A_590 : memref<80x128xf32, #tpu.memory_space<vmem_shared>>) target(%arg12 : memref<80x128xf32, #tpu.memory_space<vmem>>) target_semaphore(%run_scoped3A_587 : memref<!tpu.dma_semaphore, #tpu.memory_space<semaphore_mem>>)
        %dma_wait3A = arith.constant 0 : i32
        %dma_wait3A_591 = tpu.memref_slice %arg15[%multiple_of3A_585, %dma_wait3A] : memref<5248x128xf32, #tpu.memory_space<vmem_shared>> -> memref<80x128xf32, #tpu.memory_space<vmem_shared>>
        %dma_wait3A_592 = arith.constant 0 : i32
        %dma_wait3A_593 = tpu.memref_slice %arg15[%multiple_of3A_585, %dma_wait3A_592] : memref<5248x128xf32, #tpu.memory_space<vmem_shared>> -> memref<80x128xf32, #tpu.memory_space<vmem_shared>>
        tpu.wait_dma2 semaphore(%run_scoped3A_587 : memref<!tpu.dma_semaphore, #tpu.memory_space<semaphore_mem>>) src(%dma_wait3A_593 : memref<80x128xf32, #tpu.memory_space<vmem_shared>>) dst(%arg12 : memref<80x128xf32, #tpu.memory_space<vmem>>)
        tpu.yield
      }) : () -> ()
      %run_scoped3A_586 = arith.constant 1 : i32
      "tpu.region"() ({
        %run_scoped3A_587 = tpu.sem_alloc : memref<!tpu.dma_semaphore, #tpu.memory_space<semaphore_mem>>
        %dma_start3A = arith.constant 0 : i32
        %dma_start3A_588 = tpu.memref_slice %arg8[%run_scoped3A_586, %sub3A_0, %multiple_of3A_585, %dma_start3A] : memref<2x2x5248x128xf32, #tpu.memory_space<hbm>> -> memref<1x1x80x128xf32, #tpu.memory_space<hbm>>
        %dma_start3A_589 = tpu.memref_squeeze %dma_start3A_588 : memref<1x1x80x128xf32, #tpu.memory_space<hbm>> -> memref<80x128xf32, #tpu.memory_space<hbm>>
        %dma_start3A_590 = arith.constant 0 : i32
        %dma_start3A_591 = tpu.memref_slice %arg8[%run_scoped3A_586, %sub3A_0, %multiple_of3A_585, %dma_start3A_590] : memref<2x2x5248x128xf32, #tpu.memory_space<hbm>> -> memref<1x1x80x128xf32, #tpu.memory_space<hbm>>
        %dma_start3A_592 = tpu.memref_squeeze %dma_start3A_591 : memref<1x1x80x128xf32, #tpu.memory_space<hbm>> -> memref<80x128xf32, #tpu.memory_space<hbm>>
        tpu.enqueue_dma source(%arg12 : memref<80x128xf32, #tpu.memory_space<vmem>>) target(%dma_start3A_592 : memref<80x128xf32, #tpu.memory_space<hbm>>) target_semaphore(%run_scoped3A_587 : memref<!tpu.dma_semaphore, #tpu.memory_space<semaphore_mem>>)
        %dma_wait3A = arith.constant 0 : i32
        %dma_wait3A_593 = tpu.memref_slice %arg8[%run_scoped3A_586, %sub3A_0, %multiple_of3A_585, %dma_wait3A] : memref<2x2x5248x128xf32, #tpu.memory_space<hbm>> -> memref<1x1x80x128xf32, #tpu.memory_space<hbm>>
        %dma_wait3A_594 = tpu.memref_squeeze %dma_wait3A_593 : memref<1x1x80x128xf32, #tpu.memory_space<hbm>> -> memref<80x128xf32, #tpu.memory_space<hbm>>
        %dma_wait3A_595 = arith.constant 0 : i32
        %dma_wait3A_596 = tpu.memref_slice %arg8[%run_scoped3A_586, %sub3A_0, %multiple_of3A_585, %dma_wait3A_595] : memref<2x2x5248x128xf32, #tpu.memory_space<hbm>> -> memref<1x1x80x128xf32, #tpu.memory_space<hbm>>
        %dma_wait3A_597 = tpu.memref_squeeze %dma_wait3A_596 : memref<1x1x80x128xf32, #tpu.memory_space<hbm>> -> memref<80x128xf32, #tpu.memory_space<hbm>>
        tpu.wait_dma2 semaphore(%run_scoped3A_587 : memref<!tpu.dma_semaphore, #tpu.memory_space<semaphore_mem>>) src(%arg12 : memref<80x128xf32, #tpu.memory_space<vmem>>) dst(%dma_wait3A_597 : memref<80x128xf32, #tpu.memory_space<hbm>>)
        tpu.yield
      }) : () -> ()
    }
    %scan3A_546 = arith.constant 4 : i32
    %add3A_547 = arith.constant 320 : i32
    %add3A_548 = arith.addi %mul3A_95, %add3A_547 : i32
    %multiple_of3A_549 = tpu.assume_multiple %add3A_548, 8 : i32
    "tpu.region"() ({
      %run_scoped3A_577 = tpu.sem_alloc : memref<!tpu.dma_semaphore, #tpu.memory_space<semaphore_mem>>
      %dma_start3A = arith.constant 0 : i32
      %dma_start3A_578 = arith.constant 0 : i32
      %dma_start3A_579 = tpu.memref_slice %arg12[%dma_start3A, %dma_start3A_578] : memref<80x128xf32, #tpu.memory_space<vmem>> -> memref<8x128xf32, #tpu.memory_space<vmem>>
      %dma_start3A_580 = arith.constant 0 : i32
      %dma_start3A_581 = tpu.memref_slice %arg15[%multiple_of3A_549, %dma_start3A_580] : memref<5248x128xf32, #tpu.memory_space<vmem_shared>> -> memref<8x128xf32, #tpu.memory_space<vmem_shared>>
      %dma_start3A_582 = arith.constant 0 : i32
      %dma_start3A_583 = arith.constant 0 : i32
      %dma_start3A_584 = tpu.memref_slice %arg12[%dma_start3A_582, %dma_start3A_583] : memref<80x128xf32, #tpu.memory_space<vmem>> -> memref<8x128xf32, #tpu.memory_space<vmem>>
      %dma_start3A_585 = arith.constant 0 : i32
      %dma_start3A_586 = tpu.memref_slice %arg15[%multiple_of3A_549, %dma_start3A_585] : memref<5248x128xf32, #tpu.memory_space<vmem_shared>> -> memref<8x128xf32, #tpu.memory_space<vmem_shared>>
      tpu.enqueue_dma source(%dma_start3A_586 : memref<8x128xf32, #tpu.memory_space<vmem_shared>>) target(%dma_start3A_584 : memref<8x128xf32, #tpu.memory_space<vmem>>) target_semaphore(%run_scoped3A_577 : memref<!tpu.dma_semaphore, #tpu.memory_space<semaphore_mem>>)
      %dma_wait3A = arith.constant 0 : i32
      %dma_wait3A_587 = arith.constant 0 : i32
      %dma_wait3A_588 = tpu.memref_slice %arg12[%dma_wait3A, %dma_wait3A_587] : memref<80x128xf32, #tpu.memory_space<vmem>> -> memref<8x128xf32, #tpu.memory_space<vmem>>
      %dma_wait3A_589 = arith.constant 0 : i32
      %dma_wait3A_590 = tpu.memref_slice %arg15[%multiple_of3A_549, %dma_wait3A_589] : memref<5248x128xf32, #tpu.memory_space<vmem_shared>> -> memref<8x128xf32, #tpu.memory_space<vmem_shared>>
      %dma_wait3A_591 = arith.constant 0 : i32
      %dma_wait3A_592 = arith.constant 0 : i32
      %dma_wait3A_593 = tpu.memref_slice %arg12[%dma_wait3A_591, %dma_wait3A_592] : memref<80x128xf32, #tpu.memory_space<vmem>> -> memref<8x128xf32, #tpu.memory_space<vmem>>
      %dma_wait3A_594 = arith.constant 0 : i32
      %dma_wait3A_595 = tpu.memref_slice %arg15[%multiple_of3A_549, %dma_wait3A_594] : memref<5248x128xf32, #tpu.memory_space<vmem_shared>> -> memref<8x128xf32, #tpu.memory_space<vmem_shared>>
      tpu.wait_dma2 semaphore(%run_scoped3A_577 : memref<!tpu.dma_semaphore, #tpu.memory_space<semaphore_mem>>) src(%dma_wait3A_595 : memref<8x128xf32, #tpu.memory_space<vmem_shared>>) dst(%dma_wait3A_593 : memref<8x128xf32, #tpu.memory_space<vmem>>)
      tpu.yield
    }) : () -> ()
    %run_scoped3A = arith.constant 1 : i32
    "tpu.region"() ({
      %run_scoped3A_577 = tpu.sem_alloc : memref<!tpu.dma_semaphore, #tpu.memory_space<semaphore_mem>>
      %dma_start3A = arith.constant 0 : i32
      %dma_start3A_578 = arith.constant 0 : i32
      %dma_start3A_579 = tpu.memref_slice %arg12[%dma_start3A, %dma_start3A_578] : memref<80x128xf32, #tpu.memory_space<vmem>> -> memref<8x128xf32, #tpu.memory_space<vmem>>
      %dma_start3A_580 = arith.constant 0 : i32
      %dma_start3A_581 = tpu.memref_slice %arg8[%run_scoped3A, %sub3A_0, %multiple_of3A_549, %dma_start3A_580] : memref<2x2x5248x128xf32, #tpu.memory_space<hbm>> -> memref<1x1x8x128xf32, #tpu.memory_space<hbm>>
      %dma_start3A_582 = tpu.memref_squeeze %dma_start3A_581 : memref<1x1x8x128xf32, #tpu.memory_space<hbm>> -> memref<8x128xf32, #tpu.memory_space<hbm>>
      %dma_start3A_583 = arith.constant 0 : i32
      %dma_start3A_584 = tpu.memref_slice %arg8[%run_scoped3A, %sub3A_0, %multiple_of3A_549, %dma_start3A_583] : memref<2x2x5248x128xf32, #tpu.memory_space<hbm>> -> memref<1x1x8x128xf32, #tpu.memory_space<hbm>>
      %dma_start3A_585 = tpu.memref_squeeze %dma_start3A_584 : memref<1x1x8x128xf32, #tpu.memory_space<hbm>> -> memref<8x128xf32, #tpu.memory_space<hbm>>
      %dma_start3A_586 = arith.constant 0 : i32
      %dma_start3A_587 = arith.constant 0 : i32
      %dma_start3A_588 = tpu.memref_slice %arg12[%dma_start3A_586, %dma_start3A_587] : memref<80x128xf32, #tpu.memory_space<vmem>> -> memref<8x128xf32, #tpu.memory_space<vmem>>
      tpu.enqueue_dma source(%dma_start3A_588 : memref<8x128xf32, #tpu.memory_space<vmem>>) target(%dma_start3A_585 : memref<8x128xf32, #tpu.memory_space<hbm>>) target_semaphore(%run_scoped3A_577 : memref<!tpu.dma_semaphore, #tpu.memory_space<semaphore_mem>>)
      %dma_wait3A = arith.constant 0 : i32
      %dma_wait3A_589 = arith.constant 0 : i32
      %dma_wait3A_590 = tpu.memref_slice %arg12[%dma_wait3A, %dma_wait3A_589] : memref<80x128xf32, #tpu.memory_space<vmem>> -> memref<8x128xf32, #tpu.memory_space<vmem>>
      %dma_wait3A_591 = arith.constant 0 : i32
      %dma_wait3A_592 = tpu.memref_slice %arg8[%run_scoped3A, %sub3A_0, %multiple_of3A_549, %dma_wait3A_591] : memref<2x2x5248x128xf32, #tpu.memory_space<hbm>> -> memref<1x1x8x128xf32, #tpu.memory_space<hbm>>
      %dma_wait3A_593 = tpu.memref_squeeze %dma_wait3A_592 : memref<1x1x8x128xf32, #tpu.memory_space<hbm>> -> memref<8x128xf32, #tpu.memory_space<hbm>>
      %dma_wait3A_594 = arith.constant 0 : i32
      %dma_wait3A_595 = tpu.memref_slice %arg8[%run_scoped3A, %sub3A_0, %multiple_of3A_549, %dma_wait3A_594] : memref<2x2x5248x128xf32, #tpu.memory_space<hbm>> -> memref<1x1x8x128xf32, #tpu.memory_space<hbm>>
      %dma_wait3A_596 = tpu.memref_squeeze %dma_wait3A_595 : memref<1x1x8x128xf32, #tpu.memory_space<hbm>> -> memref<8x128xf32, #tpu.memory_space<hbm>>
      %dma_wait3A_597 = arith.constant 0 : i32
      %dma_wait3A_598 = arith.constant 0 : i32
      %dma_wait3A_599 = tpu.memref_slice %arg12[%dma_wait3A_597, %dma_wait3A_598] : memref<80x128xf32, #tpu.memory_space<vmem>> -> memref<8x128xf32, #tpu.memory_space<vmem>>
      tpu.wait_dma2 semaphore(%run_scoped3A_577 : memref<!tpu.dma_semaphore, #tpu.memory_space<semaphore_mem>>) src(%dma_wait3A_599 : memref<8x128xf32, #tpu.memory_space<vmem>>) dst(%dma_wait3A_596 : memref<8x128xf32, #tpu.memory_space<hbm>>)
      tpu.yield
    }) : () -> ()
    %barrier3A_550 = arith.constant 0 : index
    tpu.barrier barrier_id(%barrier3A_550)
    %sub3A_551 = arith.constant 0 : i32
    %sub3A_552 = arith.subi %mul3A_85, %sub3A_551 : i32
    %sub3A_553 = arith.constant 1 : i32
    %sub3A_554 = arith.constant 1 : i32
    %sub3A_555 = arith.subi %sub3A_553, %sub3A_554 : i32
    %add3A_556 = arith.addi %sub3A_552, %sub3A_555 : i32
    %div3A_557 = arith.constant 1 : i32
    %div3A_558 = arith.divsi %add3A_556, %div3A_557 : i32
    %while3A_559 = arith.constant 1 : i32
    %while3A_560 = arith.constant 0 : i32
    %while3A_561 = arith.constant 0 : i32
    %while3A_562 = arith.subi %div3A_558, %while3A_561 : i32
    %while3A_563 = arith.addi %while3A_561, %while3A_562 : i32
    %while3A_564 = arith.constant 1 : i32
    %while3A_565 = arith.divsi %while3A_562, %while3A_564 : i32
    %while3A_566 = arith.muli %while3A_565, %while3A_564 : i32
    %while3A_567 = arith.addi %while3A_561, %while3A_566 : i32
    %while3A_568 = arith.constant 1 : i32
    scf.for %while3A_577 = %while3A_561 to %while3A_567 step %while3A_568  : i32 {
      %mul3A_578 = arith.muli %while3A_577, %while3A_559 : i32
      %add3A_579 = arith.addi %while3A_560, %mul3A_578 : i32
      %dma_start3A = arith.constant 0 : i32
      %dma_start3A_580 = tpu.memref_slice %arg9[%add3A_579, %dma_start3A] : memref<256x80xi32, #tpu.memory_space<vmem>> -> memref<1x80xi32, #tpu.memory_space<vmem>>
      %dma_start3A_581 = tpu.memref_squeeze %dma_start3A_580 : memref<1x80xi32, #tpu.memory_space<vmem>> -> memref<80xi32, #tpu.memory_space<vmem>>
      %dma_start3A_582 = arith.constant 0 : i32
      %dma_start3A_583 = arith.constant 0 : i32
      %dma_start3A_584 = tpu.memref_slice %arg2[%dma_start3A_582, %dma_start3A_583] : memref<50000x128xf32, #tpu.memory_space<hbm>> -> memref<50000x128xf32, #tpu.memory_space<hbm>>
      tpu.enqueue_indirect_dma source(%dma_start3A_584 : memref<50000x128xf32, #tpu.memory_space<hbm>>) target(%arg11 : memref<80x128xf32, #tpu.memory_space<vmem>>) offsets(%dma_start3A_581 : memref<80xi32, #tpu.memory_space<vmem>>) semaphore(%arg16 : memref<!tpu.dma_semaphore, #tpu.memory_space<semaphore_mem>>)
      %dma_wait3A = arith.constant 0 : i32
      %dma_wait3A_585 = tpu.memref_slice %arg9[%add3A_579, %dma_wait3A] : memref<256x80xi32, #tpu.memory_space<vmem>> -> memref<1x80xi32, #tpu.memory_space<vmem>>
      %dma_wait3A_586 = tpu.memref_squeeze %dma_wait3A_585 : memref<1x80xi32, #tpu.memory_space<vmem>> -> memref<80xi32, #tpu.memory_space<vmem>>
      %dma_wait3A_587 = arith.constant 0 : i32
      %dma_wait3A_588 = arith.constant 0 : i32
      %dma_wait3A_589 = tpu.memref_slice %arg2[%dma_wait3A_587, %dma_wait3A_588] : memref<50000x128xf32, #tpu.memory_space<hbm>> -> memref<50000x128xf32, #tpu.memory_space<hbm>>
      tpu.wait_indirect_dma semaphore(%arg16 : memref<!tpu.dma_semaphore, #tpu.memory_space<semaphore_mem>>) src(%dma_wait3A_589 : memref<50000x128xf32, #tpu.memory_space<hbm>>) dst(%arg11 : memref<80x128xf32, #tpu.memory_space<vmem>>)
      "tpu.region"() ({
        %run_scoped3A_590 = tpu.sem_alloc : memref<!tpu.dma_semaphore, #tpu.memory_space<semaphore_mem>>
        %dma_start3A_591 = arith.constant 0 : i32
        %dma_start3A_592 = tpu.memref_slice %arg10[%add3A_579, %dma_start3A_591] : memref<256x80xi32, #tpu.memory_space<vmem>> -> memref<1x80xi32, #tpu.memory_space<vmem>>
        %dma_start3A_593 = tpu.memref_squeeze %dma_start3A_592 : memref<1x80xi32, #tpu.memory_space<vmem>> -> memref<80xi32, #tpu.memory_space<vmem>>
        %dma_start3A_594 = arith.constant 0 : i32
        %dma_start3A_595 = arith.constant 0 : i32
        %dma_start3A_596 = tpu.memref_slice %arg15[%dma_start3A_594, %dma_start3A_595] : memref<5248x128xf32, #tpu.memory_space<vmem_shared>> -> memref<5248x128xf32, #tpu.memory_space<vmem_shared>>
        tpu.enqueue_indirect_dma source(%arg11 : memref<80x128xf32, #tpu.memory_space<vmem>>) target(%dma_start3A_596 : memref<5248x128xf32, #tpu.memory_space<vmem_shared>>) offsets(%dma_start3A_593 : memref<80xi32, #tpu.memory_space<vmem>>) semaphore(%run_scoped3A_590 : memref<!tpu.dma_semaphore, #tpu.memory_space<semaphore_mem>>) {add = true}
        %dma_wait3A_597 = arith.constant 0 : i32
        %dma_wait3A_598 = tpu.memref_slice %arg10[%add3A_579, %dma_wait3A_597] : memref<256x80xi32, #tpu.memory_space<vmem>> -> memref<1x80xi32, #tpu.memory_space<vmem>>
        %dma_wait3A_599 = tpu.memref_squeeze %dma_wait3A_598 : memref<1x80xi32, #tpu.memory_space<vmem>> -> memref<80xi32, #tpu.memory_space<vmem>>
        %dma_wait3A_600 = arith.constant 0 : i32
        %dma_wait3A_601 = arith.constant 0 : i32
        %dma_wait3A_602 = tpu.memref_slice %arg15[%dma_wait3A_600, %dma_wait3A_601] : memref<5248x128xf32, #tpu.memory_space<vmem_shared>> -> memref<5248x128xf32, #tpu.memory_space<vmem_shared>>
        tpu.wait_indirect_dma semaphore(%run_scoped3A_590 : memref<!tpu.dma_semaphore, #tpu.memory_space<semaphore_mem>>) src(%arg11 : memref<80x128xf32, #tpu.memory_space<vmem>>) dst(%dma_wait3A_602 : memref<5248x128xf32, #tpu.memory_space<vmem_shared>>)
        tpu.yield
      }) : () -> ()
    }
    %while3A_569 = arith.constant 1 : i32
    scf.for %while3A_577 = %while3A_567 to %while3A_563 step %while3A_569  : i32 {
      %mul3A_578 = arith.muli %while3A_577, %while3A_559 : i32
      %add3A_579 = arith.addi %while3A_560, %mul3A_578 : i32
      %dma_start3A = arith.constant 0 : i32
      %dma_start3A_580 = tpu.memref_slice %arg9[%add3A_579, %dma_start3A] : memref<256x80xi32, #tpu.memory_space<vmem>> -> memref<1x80xi32, #tpu.memory_space<vmem>>
      %dma_start3A_581 = tpu.memref_squeeze %dma_start3A_580 : memref<1x80xi32, #tpu.memory_space<vmem>> -> memref<80xi32, #tpu.memory_space<vmem>>
      %dma_start3A_582 = arith.constant 0 : i32
      %dma_start3A_583 = arith.constant 0 : i32
      %dma_start3A_584 = tpu.memref_slice %arg2[%dma_start3A_582, %dma_start3A_583] : memref<50000x128xf32, #tpu.memory_space<hbm>> -> memref<50000x128xf32, #tpu.memory_space<hbm>>
      tpu.enqueue_indirect_dma source(%dma_start3A_584 : memref<50000x128xf32, #tpu.memory_space<hbm>>) target(%arg11 : memref<80x128xf32, #tpu.memory_space<vmem>>) offsets(%dma_start3A_581 : memref<80xi32, #tpu.memory_space<vmem>>) semaphore(%arg16 : memref<!tpu.dma_semaphore, #tpu.memory_space<semaphore_mem>>)
      %dma_wait3A = arith.constant 0 : i32
      %dma_wait3A_585 = tpu.memref_slice %arg9[%add3A_579, %dma_wait3A] : memref<256x80xi32, #tpu.memory_space<vmem>> -> memref<1x80xi32, #tpu.memory_space<vmem>>
      %dma_wait3A_586 = tpu.memref_squeeze %dma_wait3A_585 : memref<1x80xi32, #tpu.memory_space<vmem>> -> memref<80xi32, #tpu.memory_space<vmem>>
      %dma_wait3A_587 = arith.constant 0 : i32
      %dma_wait3A_588 = arith.constant 0 : i32
      %dma_wait3A_589 = tpu.memref_slice %arg2[%dma_wait3A_587, %dma_wait3A_588] : memref<50000x128xf32, #tpu.memory_space<hbm>> -> memref<50000x128xf32, #tpu.memory_space<hbm>>
      tpu.wait_indirect_dma semaphore(%arg16 : memref<!tpu.dma_semaphore, #tpu.memory_space<semaphore_mem>>) src(%dma_wait3A_589 : memref<50000x128xf32, #tpu.memory_space<hbm>>) dst(%arg11 : memref<80x128xf32, #tpu.memory_space<vmem>>)
      "tpu.region"() ({
        %run_scoped3A_590 = tpu.sem_alloc : memref<!tpu.dma_semaphore, #tpu.memory_space<semaphore_mem>>
        %dma_start3A_591 = arith.constant 0 : i32
        %dma_start3A_592 = tpu.memref_slice %arg10[%add3A_579, %dma_start3A_591] : memref<256x80xi32, #tpu.memory_space<vmem>> -> memref<1x80xi32, #tpu.memory_space<vmem>>
        %dma_start3A_593 = tpu.memref_squeeze %dma_start3A_592 : memref<1x80xi32, #tpu.memory_space<vmem>> -> memref<80xi32, #tpu.memory_space<vmem>>
        %dma_start3A_594 = arith.constant 0 : i32
        %dma_start3A_595 = arith.constant 0 : i32
        %dma_start3A_596 = tpu.memref_slice %arg15[%dma_start3A_594, %dma_start3A_595] : memref<5248x128xf32, #tpu.memory_space<vmem_shared>> -> memref<5248x128xf32, #tpu.memory_space<vmem_shared>>
        tpu.enqueue_indirect_dma source(%arg11 : memref<80x128xf32, #tpu.memory_space<vmem>>) target(%dma_start3A_596 : memref<5248x128xf32, #tpu.memory_space<vmem_shared>>) offsets(%dma_start3A_593 : memref<80xi32, #tpu.memory_space<vmem>>) semaphore(%run_scoped3A_590 : memref<!tpu.dma_semaphore, #tpu.memory_space<semaphore_mem>>) {add = true}
        %dma_wait3A_597 = arith.constant 0 : i32
        %dma_wait3A_598 = tpu.memref_slice %arg10[%add3A_579, %dma_wait3A_597] : memref<256x80xi32, #tpu.memory_space<vmem>> -> memref<1x80xi32, #tpu.memory_space<vmem>>
        %dma_wait3A_599 = tpu.memref_squeeze %dma_wait3A_598 : memref<1x80xi32, #tpu.memory_space<vmem>> -> memref<80xi32, #tpu.memory_space<vmem>>
        %dma_wait3A_600 = arith.constant 0 : i32
        %dma_wait3A_601 = arith.constant 0 : i32
        %dma_wait3A_602 = tpu.memref_slice %arg15[%dma_wait3A_600, %dma_wait3A_601] : memref<5248x128xf32, #tpu.memory_space<vmem_shared>> -> memref<5248x128xf32, #tpu.memory_space<vmem_shared>>
        tpu.wait_indirect_dma semaphore(%run_scoped3A_590 : memref<!tpu.dma_semaphore, #tpu.memory_space<semaphore_mem>>) src(%arg11 : memref<80x128xf32, #tpu.memory_space<vmem>>) dst(%dma_wait3A_602 : memref<5248x128xf32, #tpu.memory_space<vmem_shared>>)
        tpu.yield
      }) : () -> ()
    }
    %barrier3A_570 = arith.constant 0 : index
    tpu.barrier barrier_id(%barrier3A_570)
    %scan3A_571 = arith.constant 0 : i32
    %scan3A_572 = arith.constant 4 : i32
    %scan3A_573 = arith.addi %scan3A_571, %scan3A_572 : i32
    %scan3A_574 = arith.constant 1 : i32
    scf.for %scan3A_577 = %scan3A_571 to %scan3A_573 step %scan3A_574  : i32 {
      %mul3A_578 = arith.constant 1 : i32
      %mul3A_579 = arith.muli %scan3A_577, %mul3A_578 : i32
      %add3A_580 = arith.constant 0 : i32
      %add3A_581 = arith.addi %add3A_580, %mul3A_579 : i32
      %mul3A_582 = arith.constant 80 : i32
      %mul3A_583 = arith.muli %add3A_581, %mul3A_582 : i32
      %add3A_584 = arith.addi %mul3A_95, %mul3A_583 : i32
      %multiple_of3A_585 = tpu.assume_multiple %add3A_584, 8 : i32
      "tpu.region"() ({
        %run_scoped3A_587 = tpu.sem_alloc : memref<!tpu.dma_semaphore, #tpu.memory_space<semaphore_mem>>
        %dma_start3A = arith.constant 0 : i32
        %dma_start3A_588 = tpu.memref_slice %arg15[%multiple_of3A_585, %dma_start3A] : memref<5248x128xf32, #tpu.memory_space<vmem_shared>> -> memref<80x128xf32, #tpu.memory_space<vmem_shared>>
        %dma_start3A_589 = arith.constant 0 : i32
        %dma_start3A_590 = tpu.memref_slice %arg15[%multiple_of3A_585, %dma_start3A_589] : memref<5248x128xf32, #tpu.memory_space<vmem_shared>> -> memref<80x128xf32, #tpu.memory_space<vmem_shared>>
        tpu.enqueue_dma source(%dma_start3A_590 : memref<80x128xf32, #tpu.memory_space<vmem_shared>>) target(%arg11 : memref<80x128xf32, #tpu.memory_space<vmem>>) target_semaphore(%run_scoped3A_587 : memref<!tpu.dma_semaphore, #tpu.memory_space<semaphore_mem>>)
        %dma_wait3A = arith.constant 0 : i32
        %dma_wait3A_591 = tpu.memref_slice %arg15[%multiple_of3A_585, %dma_wait3A] : memref<5248x128xf32, #tpu.memory_space<vmem_shared>> -> memref<80x128xf32, #tpu.memory_space<vmem_shared>>
        %dma_wait3A_592 = arith.constant 0 : i32
        %dma_wait3A_593 = tpu.memref_slice %arg15[%multiple_of3A_585, %dma_wait3A_592] : memref<5248x128xf32, #tpu.memory_space<vmem_shared>> -> memref<80x128xf32, #tpu.memory_space<vmem_shared>>
        tpu.wait_dma2 semaphore(%run_scoped3A_587 : memref<!tpu.dma_semaphore, #tpu.memory_space<semaphore_mem>>) src(%dma_wait3A_593 : memref<80x128xf32, #tpu.memory_space<vmem_shared>>) dst(%arg11 : memref<80x128xf32, #tpu.memory_space<vmem>>)
        tpu.yield
      }) : () -> ()
      %run_scoped3A_586 = arith.constant 0 : i32
      "tpu.region"() ({
        %run_scoped3A_587 = tpu.sem_alloc : memref<!tpu.dma_semaphore, #tpu.memory_space<semaphore_mem>>
        %dma_start3A = arith.constant 0 : i32
        %dma_start3A_588 = tpu.memref_slice %arg8[%run_scoped3A_586, %sub3A_0, %multiple_of3A_585, %dma_start3A] : memref<2x2x5248x128xf32, #tpu.memory_space<hbm>> -> memref<1x1x80x128xf32, #tpu.memory_space<hbm>>
        %dma_start3A_589 = tpu.memref_squeeze %dma_start3A_588 : memref<1x1x80x128xf32, #tpu.memory_space<hbm>> -> memref<80x128xf32, #tpu.memory_space<hbm>>
        %dma_start3A_590 = arith.constant 0 : i32
        %dma_start3A_591 = tpu.memref_slice %arg8[%run_scoped3A_586, %sub3A_0, %multiple_of3A_585, %dma_start3A_590] : memref<2x2x5248x128xf32, #tpu.memory_space<hbm>> -> memref<1x1x80x128xf32, #tpu.memory_space<hbm>>
        %dma_start3A_592 = tpu.memref_squeeze %dma_start3A_591 : memref<1x1x80x128xf32, #tpu.memory_space<hbm>> -> memref<80x128xf32, #tpu.memory_space<hbm>>
        tpu.enqueue_dma source(%arg11 : memref<80x128xf32, #tpu.memory_space<vmem>>) target(%dma_start3A_592 : memref<80x128xf32, #tpu.memory_space<hbm>>) target_semaphore(%run_scoped3A_587 : memref<!tpu.dma_semaphore, #tpu.memory_space<semaphore_mem>>)
        %dma_wait3A = arith.constant 0 : i32
        %dma_wait3A_593 = tpu.memref_slice %arg8[%run_scoped3A_586, %sub3A_0, %multiple_of3A_585, %dma_wait3A] : memref<2x2x5248x128xf32, #tpu.memory_space<hbm>> -> memref<1x1x80x128xf32, #tpu.memory_space<hbm>>
        %dma_wait3A_594 = tpu.memref_squeeze %dma_wait3A_593 : memref<1x1x80x128xf32, #tpu.memory_space<hbm>> -> memref<80x128xf32, #tpu.memory_space<hbm>>
        %dma_wait3A_595 = arith.constant 0 : i32
        %dma_wait3A_596 = tpu.memref_slice %arg8[%run_scoped3A_586, %sub3A_0, %multiple_of3A_585, %dma_wait3A_595] : memref<2x2x5248x128xf32, #tpu.memory_space<hbm>> -> memref<1x1x80x128xf32, #tpu.memory_space<hbm>>
        %dma_wait3A_597 = tpu.memref_squeeze %dma_wait3A_596 : memref<1x1x80x128xf32, #tpu.memory_space<hbm>> -> memref<80x128xf32, #tpu.memory_space<hbm>>
        tpu.wait_dma2 semaphore(%run_scoped3A_587 : memref<!tpu.dma_semaphore, #tpu.memory_space<semaphore_mem>>) src(%arg11 : memref<80x128xf32, #tpu.memory_space<vmem>>) dst(%dma_wait3A_597 : memref<80x128xf32, #tpu.memory_space<hbm>>)
        tpu.yield
      }) : () -> ()
    }
    %scan3A_575 = arith.constant 4 : i32
    "tpu.region"() ({
      %run_scoped3A_577 = tpu.sem_alloc : memref<!tpu.dma_semaphore, #tpu.memory_space<semaphore_mem>>
      %dma_start3A = arith.constant 0 : i32
      %dma_start3A_578 = arith.constant 0 : i32
      %dma_start3A_579 = tpu.memref_slice %arg11[%dma_start3A, %dma_start3A_578] : memref<80x128xf32, #tpu.memory_space<vmem>> -> memref<8x128xf32, #tpu.memory_space<vmem>>
      %dma_start3A_580 = arith.constant 0 : i32
      %dma_start3A_581 = tpu.memref_slice %arg15[%multiple_of3A_549, %dma_start3A_580] : memref<5248x128xf32, #tpu.memory_space<vmem_shared>> -> memref<8x128xf32, #tpu.memory_space<vmem_shared>>
      %dma_start3A_582 = arith.constant 0 : i32
      %dma_start3A_583 = arith.constant 0 : i32
      %dma_start3A_584 = tpu.memref_slice %arg11[%dma_start3A_582, %dma_start3A_583] : memref<80x128xf32, #tpu.memory_space<vmem>> -> memref<8x128xf32, #tpu.memory_space<vmem>>
      %dma_start3A_585 = arith.constant 0 : i32
      %dma_start3A_586 = tpu.memref_slice %arg15[%multiple_of3A_549, %dma_start3A_585] : memref<5248x128xf32, #tpu.memory_space<vmem_shared>> -> memref<8x128xf32, #tpu.memory_space<vmem_shared>>
      tpu.enqueue_dma source(%dma_start3A_586 : memref<8x128xf32, #tpu.memory_space<vmem_shared>>) target(%dma_start3A_584 : memref<8x128xf32, #tpu.memory_space<vmem>>) target_semaphore(%run_scoped3A_577 : memref<!tpu.dma_semaphore, #tpu.memory_space<semaphore_mem>>)
      %dma_wait3A = arith.constant 0 : i32
      %dma_wait3A_587 = arith.constant 0 : i32
      %dma_wait3A_588 = tpu.memref_slice %arg11[%dma_wait3A, %dma_wait3A_587] : memref<80x128xf32, #tpu.memory_space<vmem>> -> memref<8x128xf32, #tpu.memory_space<vmem>>
      %dma_wait3A_589 = arith.constant 0 : i32
      %dma_wait3A_590 = tpu.memref_slice %arg15[%multiple_of3A_549, %dma_wait3A_589] : memref<5248x128xf32, #tpu.memory_space<vmem_shared>> -> memref<8x128xf32, #tpu.memory_space<vmem_shared>>
      %dma_wait3A_591 = arith.constant 0 : i32
      %dma_wait3A_592 = arith.constant 0 : i32
      %dma_wait3A_593 = tpu.memref_slice %arg11[%dma_wait3A_591, %dma_wait3A_592] : memref<80x128xf32, #tpu.memory_space<vmem>> -> memref<8x128xf32, #tpu.memory_space<vmem>>
      %dma_wait3A_594 = arith.constant 0 : i32
      %dma_wait3A_595 = tpu.memref_slice %arg15[%multiple_of3A_549, %dma_wait3A_594] : memref<5248x128xf32, #tpu.memory_space<vmem_shared>> -> memref<8x128xf32, #tpu.memory_space<vmem_shared>>
      tpu.wait_dma2 semaphore(%run_scoped3A_577 : memref<!tpu.dma_semaphore, #tpu.memory_space<semaphore_mem>>) src(%dma_wait3A_595 : memref<8x128xf32, #tpu.memory_space<vmem_shared>>) dst(%dma_wait3A_593 : memref<8x128xf32, #tpu.memory_space<vmem>>)
      tpu.yield
    }) : () -> ()
    %run_scoped3A_576 = arith.constant 0 : i32
    "tpu.region"() ({
      %run_scoped3A_577 = tpu.sem_alloc : memref<!tpu.dma_semaphore, #tpu.memory_space<semaphore_mem>>
      %dma_start3A = arith.constant 0 : i32
      %dma_start3A_578 = arith.constant 0 : i32
      %dma_start3A_579 = tpu.memref_slice %arg11[%dma_start3A, %dma_start3A_578] : memref<80x128xf32, #tpu.memory_space<vmem>> -> memref<8x128xf32, #tpu.memory_space<vmem>>
      %dma_start3A_580 = arith.constant 0 : i32
      %dma_start3A_581 = tpu.memref_slice %arg8[%run_scoped3A_576, %sub3A_0, %multiple_of3A_549, %dma_start3A_580] : memref<2x2x5248x128xf32, #tpu.memory_space<hbm>> -> memref<1x1x8x128xf32, #tpu.memory_space<hbm>>
      %dma_start3A_582 = tpu.memref_squeeze %dma_start3A_581 : memref<1x1x8x128xf32, #tpu.memory_space<hbm>> -> memref<8x128xf32, #tpu.memory_space<hbm>>
      %dma_start3A_583 = arith.constant 0 : i32
      %dma_start3A_584 = tpu.memref_slice %arg8[%run_scoped3A_576, %sub3A_0, %multiple_of3A_549, %dma_start3A_583] : memref<2x2x5248x128xf32, #tpu.memory_space<hbm>> -> memref<1x1x8x128xf32, #tpu.memory_space<hbm>>
      %dma_start3A_585 = tpu.memref_squeeze %dma_start3A_584 : memref<1x1x8x128xf32, #tpu.memory_space<hbm>> -> memref<8x128xf32, #tpu.memory_space<hbm>>
      %dma_start3A_586 = arith.constant 0 : i32
      %dma_start3A_587 = arith.constant 0 : i32
      %dma_start3A_588 = tpu.memref_slice %arg11[%dma_start3A_586, %dma_start3A_587] : memref<80x128xf32, #tpu.memory_space<vmem>> -> memref<8x128xf32, #tpu.memory_space<vmem>>
      tpu.enqueue_dma source(%dma_start3A_588 : memref<8x128xf32, #tpu.memory_space<vmem>>) target(%dma_start3A_585 : memref<8x128xf32, #tpu.memory_space<hbm>>) target_semaphore(%run_scoped3A_577 : memref<!tpu.dma_semaphore, #tpu.memory_space<semaphore_mem>>)
      %dma_wait3A = arith.constant 0 : i32
      %dma_wait3A_589 = arith.constant 0 : i32
      %dma_wait3A_590 = tpu.memref_slice %arg11[%dma_wait3A, %dma_wait3A_589] : memref<80x128xf32, #tpu.memory_space<vmem>> -> memref<8x128xf32, #tpu.memory_space<vmem>>
      %dma_wait3A_591 = arith.constant 0 : i32
      %dma_wait3A_592 = tpu.memref_slice %arg8[%run_scoped3A_576, %sub3A_0, %multiple_of3A_549, %dma_wait3A_591] : memref<2x2x5248x128xf32, #tpu.memory_space<hbm>> -> memref<1x1x8x128xf32, #tpu.memory_space<hbm>>
      %dma_wait3A_593 = tpu.memref_squeeze %dma_wait3A_592 : memref<1x1x8x128xf32, #tpu.memory_space<hbm>> -> memref<8x128xf32, #tpu.memory_space<hbm>>
      %dma_wait3A_594 = arith.constant 0 : i32
      %dma_wait3A_595 = tpu.memref_slice %arg8[%run_scoped3A_576, %sub3A_0, %multiple_of3A_549, %dma_wait3A_594] : memref<2x2x5248x128xf32, #tpu.memory_space<hbm>> -> memref<1x1x8x128xf32, #tpu.memory_space<hbm>>
      %dma_wait3A_596 = tpu.memref_squeeze %dma_wait3A_595 : memref<1x1x8x128xf32, #tpu.memory_space<hbm>> -> memref<8x128xf32, #tpu.memory_space<hbm>>
      %dma_wait3A_597 = arith.constant 0 : i32
      %dma_wait3A_598 = arith.constant 0 : i32
      %dma_wait3A_599 = tpu.memref_slice %arg11[%dma_wait3A_597, %dma_wait3A_598] : memref<80x128xf32, #tpu.memory_space<vmem>> -> memref<8x128xf32, #tpu.memory_space<vmem>>
      tpu.wait_dma2 semaphore(%run_scoped3A_577 : memref<!tpu.dma_semaphore, #tpu.memory_space<semaphore_mem>>) src(%dma_wait3A_599 : memref<8x128xf32, #tpu.memory_space<vmem>>) dst(%dma_wait3A_596 : memref<8x128xf32, #tpu.memory_space<hbm>>)
      tpu.yield
    }) : () -> ()
    return
  }
}

module attributes {stable_mosaic.version = 14 : i64} {
  func.func @_combine_body(%arg0: i32, %arg1: memref<1x1x1024x128xf32, #tpu.memory_space<vmem>>, %arg2: memref<1x1x1024x128xf32, #tpu.memory_space<vmem>>, %arg3: memref<1024x128xf32, #tpu.memory_space<vmem>>) attributes {dimension_semantics = [#tpu.dimension_semantics<arbitrary>], iteration_bounds = array<i64: 10>, scalar_prefetch = 0 : i64, scratch_operands = 0 : i64, tpu.core_type = #tpu.core_type<tc>, window_params = [{transform_indices = @transform_0, window_bounds = array<i64: 1, 1, 1024, 128>}, {transform_indices = @transform_1, window_bounds = array<i64: 1, 1, 1024, 128>}, {transform_indices = @transform_2, window_bounds = array<i64: 1024, 128>}]} {
    %get3A = arith.constant 0 : index
    %get3A_0 = arith.constant 0 : index
    %get3A_1 = arith.constant 0 : index
    %get3A_2 = arith.constant 0 : index
    %get3A_3 = vector.load %arg2[%get3A, %get3A_0, %get3A_1, %get3A_2] : memref<1x1x1024x128xf32, #tpu.memory_space<vmem>>, vector<1x1x1024x128xf32>
    %get3A_4 = vector.shape_cast %get3A_3 : vector<1x1x1024x128xf32> to vector<1024x128xf32>
    %get3A_5 = arith.constant 0 : index
    %get3A_6 = arith.constant 0 : index
    %get3A_7 = arith.constant 0 : index
    %get3A_8 = arith.constant 0 : index
    %get3A_9 = vector.load %arg1[%get3A_5, %get3A_6, %get3A_7, %get3A_8] : memref<1x1x1024x128xf32, #tpu.memory_space<vmem>>, vector<1x1x1024x128xf32>
    %get3A_10 = vector.shape_cast %get3A_9 : vector<1x1x1024x128xf32> to vector<1024x128xf32>
    %sub3A = arith.subf %get3A_10, %get3A_4 : vector<1024x128xf32>
    %slice3A = vector.extract_strided_slice %get3A_4 {offsets = [0, 0], sizes = [1024, 1], strides = [1, 1]} : vector<1024x128xf32> to vector<1024x1xf32>
    %max3A = arith.constant 1.000000e+00 : f32
    %max3A_11 = vector.broadcast %max3A : f32 to vector<1024x1xf32>
    %max3A_12 = arith.maximumf %slice3A, %max3A_11 : vector<1024x1xf32>
    %div3A = vector.broadcast %max3A_12 : vector<1024x1xf32> to vector<1024x128xf32>
    %div3A_13 = arith.divf %sub3A, %div3A : vector<1024x128xf32>
    %swap3A = arith.constant 0 : index
    %swap3A_14 = arith.constant 0 : index
    %swap3A_15 = vector.load %arg3[%swap3A, %swap3A_14] : memref<1024x128xf32, #tpu.memory_space<vmem>>, vector<1024x128xf32>
    tpu.vector_store %arg3[%swap3A, %swap3A_14], %div3A_13 {strides = array<i32>} : memref<1024x128xf32, #tpu.memory_space<vmem>>, vector<1024x128xf32>,
    return
  }
  func.func @transform_0(%arg0: i32) -> (i32, i32, i32, i32) {
    %jit3A = arith.constant 5 : i32
    %div3A = arith.divsi %arg0, %jit3A : i32
    %sign3A = arith.constant 0 : i32
    %sign3A_0 = arith.cmpi sgt, %arg0, %sign3A : i32
    %sign3A_1 = arith.extui %sign3A_0 : i1 to i32
    %sign3A_2 = arith.constant 0 : i32
    %sign3A_3 = arith.cmpi slt, %arg0, %sign3A_2 : i32
    %sign3A_4 = arith.extui %sign3A_3 : i1 to i32
    %sign3A_5 = arith.subi %sign3A_1, %sign3A_4 : i32
    %sign3A_6 = arith.constant 0 : i32
    %sign3A_7 = arith.cmpi sgt, %jit3A, %sign3A_6 : i32
    %sign3A_8 = arith.extui %sign3A_7 : i1 to i32
    %sign3A_9 = arith.constant 0 : i32
    %sign3A_10 = arith.cmpi slt, %jit3A, %sign3A_9 : i32
    %sign3A_11 = arith.extui %sign3A_10 : i1 to i32
    %sign3A_12 = arith.subi %sign3A_8, %sign3A_11 : i32
    %ne3A = arith.cmpi ne, %sign3A_5, %sign3A_12 : i32
    %rem3A = arith.remsi %arg0, %jit3A : i32
    %ne3A_13 = arith.constant 0 : i32
    %ne3A_14 = arith.cmpi ne, %rem3A, %ne3A_13 : i32
    %and3A = arith.andi %ne3A, %ne3A_14 : i1
    %sub3A = arith.constant 1 : i32
    %sub3A_15 = arith.subi %div3A, %sub3A : i32
    %select_n3A = arith.select %and3A, %sub3A_15, %div3A : i32
    %jit3A_16 = arith.constant 5 : i32
    %eq3A = arith.constant 0 : i32
    %eq3A_17 = arith.cmpi eq, %jit3A_16, %eq3A : i32
    %jit3A_18 = arith.constant 1 : i32
    %select_n3A_19 = arith.select %eq3A_17, %jit3A_18, %jit3A_16 : i32
    %rem3A_20 = arith.remsi %arg0, %select_n3A_19 : i32
    %ne3A_21 = arith.constant 0 : i32
    %ne3A_22 = arith.cmpi ne, %rem3A_20, %ne3A_21 : i32
    %lt3A = arith.constant 0 : i32
    %lt3A_23 = arith.cmpi slt, %rem3A_20, %lt3A : i32
    %lt3A_24 = arith.constant 0 : i32
    %lt3A_25 = arith.cmpi slt, %select_n3A_19, %lt3A_24 : i32
    %ne3A_26 = arith.xori %lt3A_23, %lt3A_25 : i1
    %and3A_27 = arith.andi %ne3A_26, %ne3A_22 : i1
    %add3A = arith.addi %rem3A_20, %select_n3A_19 : i32
    %select_n3A_28 = arith.select %and3A_27, %add3A, %rem3A_20 : i32
    %c0_i32 = arith.constant 0 : i32
    %c0_i32_29 = arith.constant 0 : i32
    %c0_i32_30 = arith.constant 0 : i32
    return %c0_i32, %select_n3A, %select_n3A_28, %c0_i32_29 : i32, i32, i32, i32
  }
  func.func @transform_1(%arg0: i32) -> (i32, i32, i32, i32) {
    %jit3A = arith.constant 5 : i32
    %div3A = arith.divsi %arg0, %jit3A : i32
    %sign3A = arith.constant 0 : i32
    %sign3A_0 = arith.cmpi sgt, %arg0, %sign3A : i32
    %sign3A_1 = arith.extui %sign3A_0 : i1 to i32
    %sign3A_2 = arith.constant 0 : i32
    %sign3A_3 = arith.cmpi slt, %arg0, %sign3A_2 : i32
    %sign3A_4 = arith.extui %sign3A_3 : i1 to i32
    %sign3A_5 = arith.subi %sign3A_1, %sign3A_4 : i32
    %sign3A_6 = arith.constant 0 : i32
    %sign3A_7 = arith.cmpi sgt, %jit3A, %sign3A_6 : i32
    %sign3A_8 = arith.extui %sign3A_7 : i1 to i32
    %sign3A_9 = arith.constant 0 : i32
    %sign3A_10 = arith.cmpi slt, %jit3A, %sign3A_9 : i32
    %sign3A_11 = arith.extui %sign3A_10 : i1 to i32
    %sign3A_12 = arith.subi %sign3A_8, %sign3A_11 : i32
    %ne3A = arith.cmpi ne, %sign3A_5, %sign3A_12 : i32
    %rem3A = arith.remsi %arg0, %jit3A : i32
    %ne3A_13 = arith.constant 0 : i32
    %ne3A_14 = arith.cmpi ne, %rem3A, %ne3A_13 : i32
    %and3A = arith.andi %ne3A, %ne3A_14 : i1
    %sub3A = arith.constant 1 : i32
    %sub3A_15 = arith.subi %div3A, %sub3A : i32
    %select_n3A = arith.select %and3A, %sub3A_15, %div3A : i32
    %jit3A_16 = arith.constant 5 : i32
    %eq3A = arith.constant 0 : i32
    %eq3A_17 = arith.cmpi eq, %jit3A_16, %eq3A : i32
    %jit3A_18 = arith.constant 1 : i32
    %select_n3A_19 = arith.select %eq3A_17, %jit3A_18, %jit3A_16 : i32
    %rem3A_20 = arith.remsi %arg0, %select_n3A_19 : i32
    %ne3A_21 = arith.constant 0 : i32
    %ne3A_22 = arith.cmpi ne, %rem3A_20, %ne3A_21 : i32
    %lt3A = arith.constant 0 : i32
    %lt3A_23 = arith.cmpi slt, %rem3A_20, %lt3A : i32
    %lt3A_24 = arith.constant 0 : i32
    %lt3A_25 = arith.cmpi slt, %select_n3A_19, %lt3A_24 : i32
    %ne3A_26 = arith.xori %lt3A_23, %lt3A_25 : i1
    %and3A_27 = arith.andi %ne3A_26, %ne3A_22 : i1
    %add3A = arith.addi %rem3A_20, %select_n3A_19 : i32
    %select_n3A_28 = arith.select %and3A_27, %add3A, %rem3A_20 : i32
    %c1_i32 = arith.constant 1 : i32
    %c0_i32 = arith.constant 0 : i32
    %c0_i32_29 = arith.constant 0 : i32
    return %c1_i32, %select_n3A, %select_n3A_28, %c0_i32 : i32, i32, i32, i32
  }
  func.func @transform_2(%arg0: i32) -> (i32, i32) {
    %c0_i32 = arith.constant 0 : i32
    %c0_i32_0 = arith.constant 0 : i32
    return %arg0, %c0_i32 : i32, i32
  }
}

</mosaic_0001>

<sc_bundles>
// kernel: kernel.4.cloned.1.call-start
scs
__scs_entry_jumppad:
0x0: {  	(pc) =	sbr.rel $0x88, $3  }
0x1: {  	(tag) =	ssettag $0x0;
	lr =	simm.s32 $0x1  }
0x2: {  	[smem:$0x3F9E] =	sst lr;
	_ =	strace $0xD0000000  }
0x3: {  	_ = 	snop  }
0x4: {  	_ = 	snop  }
0x5: {  	_ = 	snop  }
0x6: {  	_ = 	snop  }
0x7: {  	_ = 	snop  }
__scs_overlays_trampoline_lowered:
0x8: {  	[smem:$0x3FAD] =	sst s0  }
0x9: {  	[smem:$0x3FAE] =	sst s1  }
0xa: {  	[smem:$0x3FAF] =	sst s2  }
0xb: {  	[smem:$0x3FB0] =	sst s3  }
0xc: {  	[smem:$0x3FB1] =	sst s4  }
0xd: {  	[smem:$0x3FB2] =	sst s5  }
0xe: {  	[smem:$0x3FB3] =	sst s6  }
0xf: {  	[smem:$0x3FB4] =	sst s7  }
0x10: {  	[smem:$0x3FB5] =	sst s8  }
0x11: {  	[smem:$0x3FB6] =	sst s9;
	s0 =	simm.s32 @!p0 $0x0  }
0x12: {  	s1 =	sld [smem:$0x3F9C];
	s0 =	simm.s32 @p0 $0x1  }
0x13: {  	[smem:$0x3FB7] =	sst s0;
	s0 =	simm.s32 @!p1 $0x0  }
0x14: {  	s2 =	sld [smem:$0x3F9B];
	s0 =	simm.s32 @p1 $0x1  }
0x15: {  	[smem:$0x3FB8] =	sst s0;
	s0 =	simm.s32 @!p2 $0x0  }
0x16: {  	s3 =	sld [smem:$0x3FDB];
	s0 =	simm.s32 @p2 $0x1  }
0x17: {  	s4 =	simm.s32 $0x1BF5;
	[smem:$0x3FBA] =	sst s0  }
0x18: {  	s0 =	sld [smem:$0x3F9D];
	_ =	swait.ge [sflag:s4], $0x0  }
0x19: {  	s7 =	sld [smem:$0x3F9E]  }
0x1a: {  	s8 =	sadd.s32 $0xFFFFE003, lr  }
0x1b: {  	s9 =	sadd.s32 $0xFFFFFEF7, lr;
	s5 =	simm.s32 $0xFFFFFFFF;
	p2 =	slt.u32 s8, $0xFFFFF086  }
0x1c: {  	p1 =	slt.u32 s9, $0xF7A;
	s5 =	simm.s32 @!p2 $0x0  }
0x1d: {  	s5 =	simm.s32 @p1 $0x1;
	p0 =	seq.s32 s7, s2  }
0x1e: {  	s7 =	smul.u32 @!p0 $0xF7A, s2;
	p2 =	seq.s32 @!p0 s5, $0x0  }
0x1f: {  	s9 =	smul.u32 $0xF7A, s1;
	s8 =	simm.s32 @!p0 $0x1BF5;
	p2 =	por !p2, p0  }
0x20: {  	[sflag:s8] =	ssyncset.s32 @!p0 $0xFFFFF086;
	s6 =	sadd.s32 @!p0 s3, s7;
	s7 =	simm.s32 @!p0 $0x108  }
0x21: {  	s3 =	sadd.s32 s3, s9;
	s6 =	sadd.s32 @!p0 $0x88, s6;
	s7 =	simm.s32 @p2 $0x1082  }
0x22: {  	[simem:s7], [sflag:s8] =	dma.local @!p0 [hbm:s6], $0xF7A  }
0x23: {  	s9 =	sor.u32 $0xD0000000, s2;
	s6 =	simm.s32 $0x108;
	_ =	swait.ge @!p0 [sflag:s8], $0x0  }
0x24: {  	s3 =	sadd.s32 $0x88, s3;
	s6 =	simm.s32 @!p1 $0x1082;
	[sflag:s4] =	ssyncset.s32 $0xFFFFF086  }
0x25: {  	[simem:s6], [sflag:s4] =	dma.local [hbm:s3], $0xF7A  }
0x26: {  	[smem:$0x3F9E] =	sst s1;
	(tag) =	ssettag s2;
	_ =	strace s9  }
0x27: {  	s1 =	sld [smem:$0x3FAE]  }
0x28: {  	s2 =	sld [smem:$0x3FAF]  }
0x29: {  	s4 =	sld [smem:$0x3FB1]  }
0x2a: {  	p0 =	seq.s32 s5, $0x0;
	s5 =	sld [smem:$0x3FB2]  }
0x2b: {  	s6 =	sld [smem:$0x3FB3]  }
0x2c: {  	s7 =	sld [smem:$0x3FB4]  }
0x2d: {  	s3 =	simm.s32 $0x108;
	s8 =	sld [smem:$0x3FB5]  }
0x2e: {  	s3 =	simm.s32 @!p0 $0x1082;
	s9 =	sld [smem:$0x3FB6]  }
0x2f: {  	lr =	sadd.s32 s0, s3;
	s0 =	sld [smem:$0x3FAD]  }
0x30: {  	s3 =	sld [smem:$0x3FB0]  }
0x31: {  	[smem:$0x3FB9] =	sst s10  }
0x32: {  	s10 =	sld [smem:$0x3FB7];
	_ =	sdelay $0x3  }
0x33: {  	p0 =	seq.s32 s10, $0x1;
	s10 =	sld [smem:$0x3FB9];
	_ =	sdelay $0x3  }
0x34: {  	[smem:$0x3FB9] =	sst s10  }
0x35: {  	s10 =	sld [smem:$0x3FB8];
	_ =	sdelay $0x3  }
0x36: {  	p1 =	seq.s32 s10, $0x1;
	s10 =	sld [smem:$0x3FB9];
	_ =	sdelay $0x3  }
0x37: {  	[smem:$0x3FB9] =	sst s10  }
0x38: {  	s10 =	sld [smem:$0x3FBA]  }
0x39: {  	_ = 	snop;
	(pc) =	sbr.ind lr, $3  }
0x3a: {  	_ = 	snop  }
0x3b: {  	_ = 	snop  }
0x3c: {  	p2 =	seq.s32 s10, $0x1;
	s10 =	sld [smem:$0x3FB9]  }
0x3d: {  	_ =	shalt  }
0x3e: {  	_ =	shalt  }
0x3f: {  	_ =	shalt  }
0x40: {  	_ =	shalt  }
0x41: {  	_ =	shalt  }
0x42: {  	_ =	shalt  }
0x43: {  	_ =	shalt  }
0x44: {  	_ =	shalt  }
0x45: {  	_ =	shalt  }
0x46: {  	_ =	shalt  }
0x47: {  	_ =	shalt  }
0x48: {  	_ =	shalt  }
0x49: {  	_ =	shalt  }
0x4a: {  	_ =	shalt  }
0x4b: {  	_ =	shalt  }
0x4c: {  	_ =	shalt  }
0x4d: {  	_ =	shalt  }
0x4e: {  	_ =	shalt  }
0x4f: {  	_ =	shalt  }
0x50: {  	_ =	shalt  }
0x51: {  	_ =	shalt  }
0x52: {  	_ =	shalt  }
0x53: {  	_ =	shalt  }
0x54: {  	_ =	shalt  }
0x55: {  	_ =	shalt  }
0x56: {  	_ =	shalt  }
0x57: {  	_ =	shalt  }
0x58: {  	_ =	shalt  }
0x59: {  	_ =	shalt  }
0x5a: {  	_ =	shalt  }
0x5b: {  	_ =	shalt  }
0x5c: {  	_ =	shalt  }
0x5d: {  	_ =	shalt  }
0x5e: {  	_ =	shalt  }
0x5f: {  	_ =	shalt  }
0x60: {  	_ =	shalt  }
0x61: {  	_ =	shalt  }
0x62: {  	_ =	shalt  }
0x63: {  	_ =	shalt  }
0x64: {  	_ =	shalt  }
0x65: {  	_ =	shalt  }
0x66: {  	_ =	shalt  }
0x67: {  	_ =	shalt  }
0x68: {  	_ =	shalt  }
0x69: {  	_ =	shalt  }
0x6a: {  	_ =	shalt  }
0x6b: {  	_ =	shalt  }
0x6c: {  	_ =	shalt  }
0x6d: {  	_ =	shalt  }
0x6e: {  	_ =	shalt  }
0x6f: {  	_ =	shalt  }
0x70: {  	_ =	shalt  }
0x71: {  	_ =	shalt  }
0x72: {  	_ =	shalt  }
0x73: {  	_ =	shalt  }
0x74: {  	_ =	shalt  }
0x75: {  	_ =	shalt  }
0x76: {  	_ =	shalt  }
0x77: {  	_ =	shalt  }
0x78: {  	_ =	shalt  }
0x79: {  	_ =	shalt  }
0x7a: {  	_ =	shalt  }
0x7b: {  	_ =	shalt  }
0x7c: {  	_ =	shalt  }
0x7d: {  	_ =	shalt  }
0x7e: {  	_ =	shalt  }
0x7f: {  	_ =	shalt  }
0x80: {  	_ =	shalt  }
0x81: {  	_ =	shalt  }
0x82: {  	_ =	shalt  }
0x83: {  	_ =	shalt  }
0x84: {  	_ =	shalt  }
0x85: {  	_ =	shalt  }
0x86: {  	_ =	shalt  }
0x87: {  	_ =	shalt  }
.Lfunc_end0:
.L_simem_size_0:
called_computation_lowered:
.L_overlay_start_0:
0x88: {  	s2 =	sld [smem:$0x3FD9]  }
0x89: {  	s3 =	sld [smem:$0x3FFE];
	_ =	sdelay $0x1  }
0x8a: {  	s1 =	srdreg.scid  }
0x8b: {  	s0 =	sand.u32 $0x1, s1  }
0x8c: {  	s17 =	sshll.u32 s0, $0xA;
	s2 =	sadd.s32 s3, s2  }
0x8d: {  	s2 =	sadd.s32 s2, s17  }
0x8e: {  	[smem:$0x3FC5] =	sst s2  }
0x8f: {  	_ = 	snop  }
0x90: {  	s2 =	sld [smem:$0x3FC9]  }
0x91: {  	s18 =	sld [smem:$0x3FD0];
	(tm) =	ssettm $0x1  }
0x92: {  	s4 =	sld [smem:$0x3FFB];
	_ =	sdelay $0x3  }
0x93: {  	_ =	strace s4  }
0x94: {  	s4 =	sld [smem:$0x3FFC];
	_ =	sdelay $0x3  }
0x95: {  	_ =	strace s4  }
0x96: {  	s4 =	sld [smem:$0x3FFD];
	_ =	sdelay $0x3  }
0x97: {  	_ =	strace s4  }
0x98: {  	_ =	strace $0x8FFFFFFF  }
0x99: {  	s19 =	sld [smem:$0x3FDB];
	_ =	sdelay $0x1  }
0x9a: {  	s5 =	simm.s32 $_scs_section_size  }
0x9b: {  	s6 =	simm.s32 $_size__tile_overlayer_lowered;
	s7 =	simm.s32 $_tile_overlayer_lowered  }
0x9c: {  	s22 =	simm.s32 $0x1BFF;
	s21 =	sshll.u32 s7, $0x1;
	s4 =	sadd.s32 s5, s19  }
0x9d: {  	s8 =	simm.s32 $0x0;
	s20 =	sshll.u32 s6, $0x1;
	s6 =	sadd.s32 s21, s4  }
0x9e: {  	[timem:s8], [sflag:s22] =	dma.local [hbm:s6], s20  }
0x9f: {  	_ =	swait.ge [sflag:s22], s20  }
0xa0: {  	s5 =	ssub.s32 $0x0, s20;
	[sflag:s22] =	ssyncset.done $0x0  }
0xa1: {  	[sflag:s22] =	ssyncadd.s32 s5;
	_ =	sdelay $0x1  }
0xa2: {  	s23 =	simm.s32 $0x1B8B  }
0xa3: {  	_ =	swait.ge [sflag:s23], $0x1  }
0xa4: {  	[sflag:s23] =	ssyncset.done $0x0  }
0xa5: {  	s25 =	simm.s32 $0x1B8E;
	s24 =	sld [smem:$0x3FFE];
	[sflag:s23] =	ssyncadd.s32 $0xFFFFFFFF  }
0xa6: {  	s26 =	simm.s32 $execute0_lowered;
	[smem:$0x3FD2] =	sst s25  }
0xa7: {  	s6 =	sshll.u32 s26, $0x1;
	_ =	strace $0x80000046;
	[dreg:$0x1] =	wrdreg $0xFFFFFFFF  }
0xa8: {  	s28 =	simm.s32 $_size_execute0_lowered;
	s4 =	sadd.s32 s4, s6;
	[dreg:$0x0] =	wrdreg $0x0  }
0xa9: {  	s6 =	sshll.u32 s28, $0x1;
	[dreg:$0x2] =	wrdreg s4  }
0xaa: {  	[dreg:$0x3] =	wrdreg s6  }
0xab: {  	[dreg:$0x4] =	wrdreg $0xC0  }
0xac: {  	_ =	task [dreg:s8], $0x5FFFF  }
0xad: {  	[dreg:$0x1] =	wrdreg $0xFFFFFFFF  }
0xae: {  	[dreg:$0x0] =	wrdreg $0x60  }
0xaf: {  	[dreg:$0x2] =	wrdreg s2  }
0xb0: {  	[dreg:$0x3] =	wrdreg s18  }
0xb1: {  	[dreg:$0x4] =	wrdreg s24  }
0xb2: {  	[dreg:$0x5] =	wrdreg $0x154800  }
0xb3: {  	[dreg:$0x6] =	wrdreg $0x9  }
0xb4: {  	_ =	task.clear_ibuf [dreg:s8], $0x7FFFF;
	_ =	strace $0x90000046  }
0xb5: {  	s29 =	simm.s32 $0x9;
	_ =	strace $0x80000048  }
0xb6: {  	_ =	swait.ge [sflag:s29], $0x1  }
0xb7: {  	[sflag:s29] =	ssyncadd.s32 $0xFFFFFFFF  }
0xb8: {  	_ =	strace $0x90000048  }
0xb9: {  	_ =	sfence  }
0xba: {  	s30 =	sld [smem:$0x0];
	_ =	sdelay $0x2  }
0xbb: {  	s31 =	sshll.u32 s1, $0xD;
	s1 =	sshrl.u32 s1, $0x2  }
0xbc: {  	s3 =	sand.u32 $0x4000, s31;
	s1 =	sadd.s32 s1, s30  }
0xbd: {  	s0 =	sor.u32 s3, s0;
	s1 =	sshll.u32 s1, $0x11  }
0xbe: {  	s0 =	sor.u32 s1, s0  }
0xbf: {  	s0 =	sadd.s32 $0x8F2B, s0  }
0xc0: {  	[sflag:s0] =	ssyncadd.remote.s32 $0x1  }
0xc1: {  	_ =	sfence.sel $0xFFFF  }
0xc2: {  	[dreg:$0x0] =	wrdreg $0xFFFFFFFF;
	(pc) =	sbr.abs _section_cstart, $3  }
0xc3: {  	[dreg:$0x1] =	wrdreg $0xFFFFFFFF  }
0xc4: {  	_ =	task.clear_ibuf [dreg:s8], $0x2FFFF;
	_ =	strace $0x9FFFFFFF  }
0xc5: {  	(tm) =	ssettm $0x7FFFFFFF  }
tec
execute0_lowered:
.L_overlay_start_1:
0x0: {  	(tag) =	ssettag $0x1  }
0x1: {  	v25 =	vlaneseq.u32  }
0x2: {  	v2 =	vor.u32 $0x10, v25;
	v3 =	vor.u32 $0x20, v25  }
0x3: {  	v4 =	vor.u32 $0x30, v25;
	v5 =	vor.u32 $0x40, v25;
	v6 =	vor.u32 $0x50, v25  }
0x4: {  	v7 =	vor.u32 $0x60, v25;
	v8 =	vor.u32 $0x70, v25;
	v9 =	vor.u32 $0x80, v25  }
0x5: {  	s1 =	rddreg [dreg:$0x0];
	v10 =	vor.u32 $0x90, v25;
	v11 =	vor.u32 $0xA0, v25;
	v12 =	vor.u32 $0xB0, v25  }
0x6: {  	s0 =	srdreg.scid;
	s13 =	stileid.u32;
	v13 =	vor.u32 $0xC0, v25;
	v14 =	vor.u32 $0xD0, v25;
	v15 =	vor.u32 $0xE0, v25  }
0x7: {  	s2 =	rddreg [dreg:$0x2];
	s17 =	sand.u32 $0x1, s0;
	s0 =	smul.u32 $0x148, s13;
	v16 =	vor.u32 $0xF0, v25;
	v17 =	vor.u32 $0x100, v25;
	v18 =	vor.u32 $0x110, v25  }
0x8: {  	s4 =	rddreg [dreg:$0x3];
	s5 =	simm.s32 $0x0;
	v19 =	vor.u32 $0x120, v25;
	v20 =	vor.u32 $0x130, v25;
	v21 =	vor.u32 $0x140, v25  }
0x9: {  	s28 =	simm.s32 $0x2;
	s29 =	simm.s32 $0x10000;
	s30 =	simm.s32 $0x12800;
	v1 =	vadd.s32 s0, v25;
	v2 =	vadd.s32 s0, v2;
	v3 =	vadd.s32 s0, v3  }
0xa: {  	s31 =	simm.s32 $0x1;
	[smem:$0x7FF] =	sst s5;
	s3 =	sadd.s32 $0xA00, s2;
	v4 =	vadd.s32 s0, v4;
	v5 =	vadd.s32 s0, v5;
	v6 =	vadd.s32 s0, v6  }
0xb: {  	s15 =	sadd.s32 $0x13000, s2;
	s11 =	smul.u32 $0xA400, s13;
	_ =	strace $0x80000047;
	v7 =	vadd.s32 s0, v7;
	v8 =	vadd.s32 s0, v8;
	v9 =	vadd.s32 s0, v9  }
0xc: {  	[dreg:$0x5] =	wrdreg s3;
	s6 =	sxor.u32 $0x1, s17;
	s26 =	ssub.s32 $0x2, s17;
	v10 =	vadd.s32 s0, v10;
	v11 =	vadd.s32 s0, v11;
	v12 =	vadd.s32 s0, v12  }
0xd: {  	p0 =	seq.s32 s17, $0x0;
	s17 =	sadd.s32 $0x12A00, s2;
	s8 =	smul.u32 $0xA4000, s6;
	v13 =	vadd.s32 s0, v13;
	v14 =	vadd.s32 s0, v14;
	v15 =	vadd.s32 s0, v15  }
0xe: {  	s10 =	sshll.u32 s0, $0x7;
	s7 =	sshrl.u32 s26, $0x1;
	s6 =	smul.u32 $0x1400, s6;
	v16 =	vadd.s32 s0, v16;
	v17 =	vadd.s32 s0, v17;
	v18 =	vadd.s32 s0, v18  }
0xf: {  	v19 =	vadd.s32 s0, v19;
	v20 =	vadd.s32 s0, v20;
	v21 =	vadd.s32 s0, v21;
	s0 =	simm.s32 $0x0;
	s19 =	sadd.s32 $0xA000, s10;
	s3 =	ssub.s32 s26, s7  }
0x10: {  	s22 =	sadd.s32 $0x2800, s10;
	s23 =	sadd.s32 $0x5000, s10;
	s24 =	sadd.s32 $0x7800, s10  }
0x11: {  	s9 =	sadd.s32 s8, s19;
	s12 =	sadd.s32 $0x148000, s8;
	v0 =	vmov s6;
	s6 =	smul.u32 $0x29000, s13  }
0x12: {  	s26 =	sadd.s32 s8, s22;
	s19 =	sadd.s32 s19, s4;
	s7 =	sshrl.u32 s9, $0x3  }
0x13: {  	s9 =	sadd.s32 s11, s12;
	s14 =	sadd.s32 s22, s12;
	s18 =	sadd.s32 s23, s12  }
0x14: {  	s12 =	sadd.s32 s24, s12;
	s11 =	sadd.s32 s8, s11;
	s13 =	sshrl.u32 s26, $0x3  }
0x15: {  	s22 =	sadd.s32 s22, s4;
	s7 =	sadd.s32 s15, s7;
	s9 =	sshrl.u32 s9, $0x3  }
0x16: {  	s16 =	sshrl.u32 s14, $0x3;
	s20 =	sshrl.u32 s18, $0x3;
	s12 =	sshrl.u32 s12, $0x3  }
0x17: {  	s25 =	sshrl.u32 s11, $0x3;
	s14 =	sadd.s32 s8, s23;
	s8 =	sadd.s32 s8, s24  }
0x18: {  	s13 =	sadd.s32 s15, s13;
	s6 =	sshrl.u32 s6, $0x2;
	s18 =	sadd.s32 $0x12400, s2  }
0x19: {  	s23 =	sadd.s32 s23, s4;
	s24 =	sadd.s32 s24, s4;
	s9 =	sadd.s32 s15, s9  }
0x1a: {  	s21 =	sadd.s32 s15, s20;
	s11 =	sadd.s32 s15, s12;
	s12 =	sadd.s32 s15, s25  }
.Ltmp0:
0x1b: {  	s14 =	sshrl.u32 s14, $0x3;
	s8 =	sshrl.u32 s8, $0x3;
	(pc) =	sbr.rel .LBB2_1-.Ltmp0, $4  }
0x1c: {  	s20 =	sadd.s32 s6, s4;
	s10 =	smov.u32 s7;
	[dreg:$0x6] =	wrdreg s9  }
0x1d: {  	vm0 =	vmmov $0xff;
	s25 =	sadd.s32 $0x29000, s7;
	s9 =	sadd.s32 s15, s16;
	[dreg:$0x8] =	wrdreg s21  }
0x1e: {  	v26 =	vimm.s32 $0x1400;
	v22 =	vor.u32 $0x1400, v25;
	v23 =	vor.u32 $0x1410, v25;
	s14 =	sadd.s32 s15, s14;
	s15 =	sadd.s32 s15, s8;
	s16 =	sadd.s32 $0x12200, s2  }
0x1f: {  	v24 =	vor.u32 $0x1420, v25;
	v25 =	vor.u32 $0x1430, v25;
	v21 =	vnsel vm0, $0x1400, v21;
	s21 =	smax.u32 s3, $0x1;
	s2 =	simm.s32 $0x50;
	[dreg:$0x7] =	wrdreg s9  }
.LBB2_10:
0x20: {  	[sflag:s28] =	ssyncadd.s32 $0xFFFFD800  }
.LBB2_11:
0x21: {  	[bflag:$0x0] =	sbarrier.arrive $0xFFFF  }
0x22: {  	[tilespmem:s29], [sflag:$0x2] =	stream.linear.gather [spmem:s20], $0x2800, $0x38;
	[tilespmem:$0x1F880] =	vst v63  }
0x23: {  	_ =	swait.ge [sflag:s28], $0x2800  }
0x24: {  	[sflag:s28] =	ssyncset.done $0x0  }
0x25: {  	[sflag:s28] =	ssyncadd.s32 $0xFFFFD800  }
0x26: {  	[hbm4b:s12+s5] =	stream.linear.scatter [tilespmem:s29], [sflag:$0x2], $0x2800, $0x38;
	[tilespmem:$0x1F880] =	vst v63  }
0x27: {  	_ =	swait.ge [sflag:s28], $0x2800  }
0x28: {  	[sflag:s28] =	ssyncset.done $0x0  }
0x29: {  	[sflag:s28] =	ssyncadd.s32 $0xFFFFD800  }
0x2a: {  	[tilespmem:s29], [sflag:$0x2] =	stream.linear.gather [spmem:s22], $0x2800, $0x38;
	[tilespmem:$0x1F880] =	vst v63  }
0x2b: {  	_ =	swait.ge [sflag:s28], $0x2800  }
0x2c: {  	[sflag:s28] =	ssyncset.done $0x0  }
0x2d: {  	[sflag:s28] =	ssyncadd.s32 $0xFFFFD800  }
0x2e: {  	[hbm4b:s13+s5] =	stream.linear.scatter [tilespmem:s29], [sflag:$0x2], $0x2800, $0x38;
	[tilespmem:$0x1F880] =	vst v63  }
0x2f: {  	_ =	swait.ge [sflag:s28], $0x2800  }
0x30: {  	[sflag:s28] =	ssyncset.done $0x0  }
0x31: {  	[sflag:s28] =	ssyncadd.s32 $0xFFFFD800  }
0x32: {  	[tilespmem:s29], [sflag:$0x2] =	stream.linear.gather [spmem:s23], $0x2800, $0x38;
	[tilespmem:$0x1F880] =	vst v63  }
0x33: {  	_ =	swait.ge [sflag:s28], $0x2800  }
0x34: {  	[sflag:s28] =	ssyncset.done $0x0  }
0x35: {  	[sflag:s28] =	ssyncadd.s32 $0xFFFFD800  }
0x36: {  	[hbm4b:s14+s5] =	stream.linear.scatter [tilespmem:s29], [sflag:$0x2], $0x2800, $0x38;
	[tilespmem:$0x1F880] =	vst v63  }
0x37: {  	_ =	swait.ge [sflag:s28], $0x2800  }
0x38: {  	[sflag:s28] =	ssyncset.done $0x0  }
0x39: {  	[sflag:s28] =	ssyncadd.s32 $0xFFFFD800  }
0x3a: {  	[tilespmem:s29], [sflag:$0x2] =	stream.linear.gather [spmem:s24], $0x2800, $0x38;
	[tilespmem:$0x1F880] =	vst v63  }
0x3b: {  	_ =	swait.ge [sflag:s28], $0x2800  }
0x3c: {  	[sflag:s28] =	ssyncset.done $0x0  }
0x3d: {  	[sflag:s28] =	ssyncadd.s32 $0xFFFFD800  }
0x3e: {  	[hbm4b:s15+s5] =	stream.linear.scatter [tilespmem:s29], [sflag:$0x2], $0x2800, $0x38;
	[tilespmem:$0x1F880] =	vst v63  }
0x3f: {  	_ =	swait.ge [sflag:s28], $0x2800  }
0x40: {  	[sflag:s28] =	ssyncset.done $0x0  }
0x41: {  	[sflag:s28] =	ssyncadd.s32 $0xFFFFD800  }
0x42: {  	[tilespmem:s29], [sflag:$0x2] =	stream.linear.gather [spmem:s19], $0x400, $0x38;
	[tilespmem:$0x1F880] =	vst v63  }
0x43: {  	s0 =	sadd.s32 $0x1, s0;
	_ =	swait.ge [sflag:s28], $0x400  }
0x44: {  	p1 =	sne.s32 s0, s21;
	[sflag:s28] =	ssyncset.done $0x0  }
.Ltmp1:
0x45: {  	[sflag:s28] =	ssyncadd.s32 $0xFFFFFC00;
	(pc) =	sbr.rel @!p1 .LBB2_12-.Ltmp1, $4  }
0x46: {  	[hbm4b:s10+s5] =	stream.linear.scatter [tilespmem:s29], [sflag:$0x2], $0x400, $0x38;
	[tilespmem:$0x1F880] =	vst v63  }
0x47: {  	_ =	swait.ge [sflag:s28], $0x400  }
0x48: {  	[sflag:s28] =	ssyncset.done $0x0  }
0x49: {  	[sflag:s28] =	ssyncadd.s32 $0xFFFFFC00  }
.LBB2_1:
0x4a: {  	s3 =	simm.s32 $0x15400  }
0x4b: {  	[tilespmem:s3], [sflag:$0x2] =	stream.linear.gather [hbm4b:s16+s5], $0x80, $0x38;
	[tilespmem:$0x1F880] =	vst v63  }
0x4c: {  	_ =	swait.ge [sflag:s28], $0x80  }
0x4d: {  	[sflag:s28] =	ssyncset.done $0x0  }
0x4e: {  	[sflag:s28] =	ssyncadd.s32 $0xFFFFFF80  }
0x4f: {  	[tilespmem:s29], [sflag:$0x2] =	stream.linear.gather [hbm4b:s17+s5], $0x2800, $0x38;
	[tilespmem:$0x1F880] =	vst v63  }
0x50: {  	_ =	swait.ge [sflag:s28], $0x2800  }
0x51: {  	[sflag:s28] =	ssyncset.done $0x0  }
0x52: {  	[sflag:s28] =	ssyncadd.s32 $0xFFFFD800  }
0x53: {  	[tilespmem:s30], [sflag:$0x2] =	stream.linear.gather [hbm4b:s18+s5], $0x2800, $0x38;
	[tilespmem:$0x1F880] =	vst v63  }
0x54: {  	_ =	swait.ge [sflag:s28], $0x2800  }
0x55: {  	[sflag:s28] =	ssyncset.done $0x0  }
0x56: {  	[sflag:s28] =	ssyncadd.s32 $0xFFFFD800  }
0x57: {  	v27 =	vld [tilespmem:$0x15400];
	_ =	sdelay $0x4  }
0x58: {  	(v2sf) =	vpush v27, $0x0;
	_ =	sdelay $0xe  }
0x59: {  	s3 =	spop (v2sf)  }
0x5a: {  	s6 =	smulhi.u32 $0x66666667, s3;
	s8 =	sshra.s32 s3, $0x1F  }
0x5b: {  	s26 =	sadd.s32 $0x4F, s3;
	s8 =	smul.u32 $0x66666667, s8  }
0x5c: {  	s7 =	smulhi.u32 $0x66666667, s26;
	s9 =	sshra.s32 s26, $0x1F  }
0x5d: {  	s9 =	smul.u32 $0x66666667, s9;
	s6 =	sadd.s32 s8, s6  }
0x5e: {  	s8 =	sshrl.u32 s6, $0x1F;
	s6 =	sshra.s32 s6, $0x8  }
0x5f: {  	s7 =	sadd.s32 s9, s7;
	s6 =	sadd.s32 s8, s6  }
0x60: {  	s8 =	sshrl.u32 s7, $0x1F;
	s7 =	sshra.s32 s7, $0x5;
	s9 =	smul.u32 $0xFFFFFD80, s6  }
0x61: {  	s7 =	sadd.s32 s8, s7;
	s8 =	ssub.s32 $0x0, s3  }
0x62: {  	p2 =	slt.s32 s3, $0x1;
	p1 =	sne.s32 s9, s8;
	s9 =	smul.u32 $0xFFFFFFB0, s7  }
0x63: {  	p3 =	slt.s32 s26, $0x1;
	s3 =	ssub.s32 $0xFFFFFFB1, s3;
	p1 =	por !p2, !p1  }
0x64: {  	p4 =	sne.s32 s9, s3;
	p1 =	por !p1, !p1;
	s3 =	simm.s32 $0x1  }
0x65: {  	p2 =	por !p3, !p4;
	s3 =	simm.s32 @!p1 $0x0  }
0x66: {  	s8 =	simm.s32 $0x1;
	p1 =	por !p2, !p2;
	s3 =	ssub.s32 s6, s3  }
0x67: {  	s8 =	simm.s32 @!p1 $0x0;
	s6 =	sshll.u32 s3, $0x3  }
0x68: {  	s3 =	ssub.s32 s7, s8;
	s7 =	ssub.s32 $0xFA0, s6  }
0x69: {  	s3 =	smov.u32 @p0 s7  }
0x6a: {  	s7 =	sadd.s32 $0x7F, s3  }
0x6b: {  	s9 =	sand.u32 $0x7F, s7  }
0x6c: {  	p5 =	slt.s32 s3, $0xFFFFFF82;
	s26 =	sshra.s32 s7, $0x1F;
	p6 =	sne.s32 s9, $0x0  }
0x6d: {  	s3 =	sshrl.u32 s26, $0x19;
	p1 =	por !p5, !p6  }
0x6e: {  	s3 =	sadd.s32 s3, s7;
	s7 =	simm.s32 $0x1;
	p1 =	por !p1, !p1  }
0x6f: {  	s3 =	sshra.s32 s3, $0x7;
	s7 =	simm.s32 @!p1 $0x0  }
0x70: {  	s26 =	ssub.s32 s3, s7  }
0x71: {  	s8 =	stileid.u32;
	s3 =	sshll.u32 s26, $0x3  }
0x72: {  	s7 =	smul.u32 s8, s3  }
0x73: {  	s6 =	simm.s32 @!p0 $0x0  }
0x74: {  	s6 =	sadd.s32 s6, s7  }
0x75: {  	s6 =	sshll.u32 s6, $0x4  }
0x76: {  	s9 =	rddreg [dreg:$0x1];
	s6 =	sand.u32 $0xFFFFF80, s6  }
0x77: {  	s7 =	sadd.s32 s9, s6  }
0x78: {  	[tilespmem:s5], [sflag:$0x2] =	stream.linear.gather [hbm4b:s7+s5], $0x8000, $0x38;
	[tilespmem:$0x1F880] =	vst v63  }
0x79: {  	_ =	swait.ge [sflag:s28], $0x8000  }
0x7a: {  	[sflag:s28] =	ssyncset.done $0x0;
	s8 =	rddreg [dreg:$0x5]  }
0x7b: {  	s9 =	simm.s32 $0x8000;
	[sflag:s28] =	ssyncadd.s32 $0xFFFF8000;
	s6 =	sadd.s32 s8, s6  }
0x7c: {  	[tilespmem:s9], [sflag:$0x2] =	stream.linear.gather [hbm4b:s6+s5], $0x8000, $0x38;
	[tilespmem:$0x1F880] =	vst v63  }
0x7d: {  	_ =	swait.ge [sflag:s28], $0x8000  }
0x7e: {  	[sflag:s28] =	ssyncset.done $0x0  }
0x7f: {  	s6 =	simm.s32 $0x0;
	[sflag:s28] =	ssyncadd.s32 $0xFFFF8000  }
0x80: {  	v28 =	vld [tilespmem:s6+$0x8000]  }
0x81: {  	v30 =	vld [tilespmem:s6+$0x8010]  }
0x82: {  	v29 =	vld [tilespmem:s6+$0x8020]  }
0x83: {  	s8 =	simm.s32 $0x200;
	v27 =	vld [tilespmem:s6+$0x8030]  }
.LBB2_2:
0x84: {  	p1 =	sne.s32 s8, $0x1FE00;
	v31 =	vld [tilespmem:s6+$0x8040]  }
0x85: {  	v28 =	vsub.s32 v28, v0  }
0x86: {  	vm0 =	vgt.u32 v28, $0x13FF;
	v30 =	vsub.s32 v30, v0  }
0x87: {  	v28 =	vsel vm0, v22, v28;
	vm0 =	vgt.u32 v30, $0x13FF;
	v29 =	vsub.s32 v29, v0  }
.Ltmp2:
0x88: {  	s7 =	sshra.s32 s8, $0x2;
	[tilespmem:s6+$0x8000] =	vst v28;
	v30 =	vsel vm0, v23, v30;
	vm0 =	vgt.u32 v29, $0x13FF;
	v27 =	vsub.s32 v27, v0;
	(pc) =	sbr.rel @p1 .LBB2_2-.Ltmp2, $4  }
0x89: {  	v28 =	vld [tilespmem:s7+$0x8000];
	[tilespmem:s6+$0x8010] =	vst v30;
	v29 =	vsel vm0, v24, v29;
	vm0 =	vgt.u32 v27, $0x13FF;
	v31 =	vsub.s32 v31, v0  }
0x8a: {  	v30 =	vld [tilespmem:s7+$0x8010];
	[tilespmem:s6+$0x8020] =	vst v29;
	v27 =	vsel vm0, v25, v27;
	vm0 =	vgt.u32 v31, $0x13FF  }
0x8b: {  	v29 =	vld [tilespmem:s7+$0x8020];
	[tilespmem:s6+$0x8030] =	vst v27;
	v31 =	vsel vm0, v22, v31  }
0x8c: {  	s8 =	sadd.s32 $0x200, s8;
	v27 =	vld [tilespmem:s7+$0x8030];
	[tilespmem:s6+$0x8040] =	vst v31;
	s6 =	smov.u32 s7  }
0x8d: {  	v31 =	vld [tilespmem:s6+$0x8040]  }
0x8e: {  	v28 =	vsub.s32 v28, v0  }
0x8f: {  	vm0 =	vgt.u32 v28, $0x13FF;
	v30 =	vsub.s32 v30, v0  }
0x90: {  	v28 =	vsel vm0, v22, v28;
	vm12 =	vgt.u32 v30, $0x13FF;
	v29 =	vsub.s32 v29, v0  }
0x91: {  	[tilespmem:s6+$0x8000] =	vst v28;
	v61 =	vsel vm12, v23, v30;
	vm13 =	vgt.u32 v29, $0x13FF;
	v27 =	vsub.s32 v27, v0  }
0x92: {  	[tilespmem:s6+$0x8010] =	vst v61;
	v62 =	vsel vm13, v24, v29;
	vm14 =	vgt.u32 v27, $0x13FF;
	v63 =	vsub.s32 v31, v0  }
0x93: {  	[tilespmem:s6+$0x8020] =	vst v62;
	v27 =	vsel vm14, v25, v27;
	vm15 =	vgt.u32 v63, $0x13FF  }
0x94: {  	[tilespmem:s6+$0x8030] =	vst v27;
	v27 =	vsel vm15, v22, v63  }
0x95: {  	[tilespmem:s6+$0x8040] =	vst v27  }
0x96: {  	[tilespmem:$0x15000] =	vst v1  }
0x97: {  	[tilespmem:$0x15010] =	vst v2  }
0x98: {  	[tilespmem:$0x15020] =	vst v3  }
0x99: {  	[tilespmem:$0x15030] =	vst v4  }
0x9a: {  	[tilespmem:$0x15040] =	vst v5  }
0x9b: {  	[tilespmem:$0x15080] =	vst v6  }
0x9c: {  	[tilespmem:$0x15090] =	vst v7  }
0x9d: {  	[tilespmem:$0x150A0] =	vst v8  }
0x9e: {  	[tilespmem:$0x150B0] =	vst v9  }
0x9f: {  	[tilespmem:$0x150C0] =	vst v10  }
0xa0: {  	[tilespmem:$0x15100] =	vst v11  }
0xa1: {  	[tilespmem:$0x15110] =	vst v12  }
0xa2: {  	[tilespmem:$0x15120] =	vst v13  }
0xa3: {  	[tilespmem:$0x15130] =	vst v14  }
0xa4: {  	[tilespmem:$0x15140] =	vst v15  }
0xa5: {  	[tilespmem:$0x15180] =	vst v16  }
0xa6: {  	[tilespmem:$0x15190] =	vst v17  }
0xa7: {  	[tilespmem:$0x151A0] =	vst v18  }
0xa8: {  	[tilespmem:$0x151B0] =	vst v19  }
0xa9: {  	[tilespmem:$0x151C0] =	vst v20  }
0xaa: {  	[tilespmem:$0x15200] =	vst v21  }
0xab: {  	[tilespmem:$0x15210] =	vst v26  }
0xac: {  	[tilespmem:$0x15220] =	vst v26  }
0xad: {  	[tilespmem:$0x15230] =	vst v26  }
0xae: {  	s8 =	simm.s32 $0x15000;
	[tilespmem:$0x15240] =	vst v26  }
0xaf: {  	[spmem:s4] =	stream.indirect.scatter [tilespmem:s29], [sflag:$0x2], $0x80, s8, s2, $0xb8;
	[tilespmem:$0x1F880] =	vst v63  }
0xb0: {  	_ =	swait.ge [sflag:s28], $0x2800  }
0xb1: {  	[sflag:s28] =	ssyncset.done $0x0  }
0xb2: {  	s9 =	simm.s32 $0x15080;
	[sflag:s28] =	ssyncadd.s32 $0xFFFFD800  }
0xb3: {  	[spmem:s4] =	stream.indirect.scatter [tilespmem:s29], [sflag:$0x2], $0x80, s9, s2, $0xb8;
	[tilespmem:$0x1F880] =	vst v63  }
0xb4: {  	_ =	swait.ge [sflag:s28], $0x2800  }
0xb5: {  	[sflag:s28] =	ssyncset.done $0x0  }
0xb6: {  	s7 =	simm.s32 $0x15100;
	[sflag:s28] =	ssyncadd.s32 $0xFFFFD800  }
0xb7: {  	[spmem:s4] =	stream.indirect.scatter [tilespmem:s29], [sflag:$0x2], $0x80, s7, s2, $0xb8;
	[tilespmem:$0x1F880] =	vst v63  }
0xb8: {  	_ =	swait.ge [sflag:s28], $0x2800  }
0xb9: {  	[sflag:s28] =	ssyncset.done $0x0  }
0xba: {  	s8 =	simm.s32 $0x15180;
	[sflag:s28] =	ssyncadd.s32 $0xFFFFD800  }
0xbb: {  	[spmem:s4] =	stream.indirect.scatter [tilespmem:s29], [sflag:$0x2], $0x80, s8, s2, $0xb8;
	[tilespmem:$0x1F880] =	vst v63  }
0xbc: {  	_ =	swait.ge [sflag:s28], $0x2800  }
0xbd: {  	[sflag:s28] =	ssyncset.done $0x0  }
0xbe: {  	p1 =	slt.s32 s26, $0x1;
	s9 =	simm.s32 $0x15200;
	[sflag:s28] =	ssyncadd.s32 $0xFFFFD800  }
0xbf: {  	[spmem:s4] =	stream.indirect.scatter [tilespmem:s29], [sflag:$0x2], $0x80, s9, s2, $0xb8;
	[tilespmem:$0x1F880] =	vst v63  }
.Ltmp3:
0xc0: {  	_ =	swait.ge [sflag:s28], $0x2800;
	(pc) =	sbr.rel @p1 .LBB2_7-.Ltmp3, $4  }
0xc1: {  	[sflag:s28] =	ssyncset.done $0x0  }
0xc2: {  	[sflag:s28] =	ssyncadd.s32 $0xFFFFD800  }
0xc3: {  	[bflag:$0x0] =	sbarrier.arrive $0xFFFF  }
0xc4: {  	s6 =	simm.s32 $0x8000  }
0xc5: {  	p2 =	sne.s32 s3, $0x1  }
.Ltmp4:
0xc6: {  	_ = 	snop;
	(pc) =	sbr.rel @!p2 .LBB2_6-.Ltmp4, $4  }
0xc7: {  	_ = 	snop  }
0xc8: {  	[spmem:s4] =	stream.indirect.scatter.add.f32 [tilespmem:s30], [sflag:$0x2], $0x80, s6, s2, $0xb8;
	[tilespmem:$0x1F880] =	vst v63  }
0xc9: {  	_ =	swait.ge [sflag:s28], $0x2800  }
0xca: {  	s8 =	sadd.s32 $0xFFFFFFFF, s3;
	[sflag:s28] =	ssyncset.done $0x0  }
.LBB2_5:
0xcb: {  	p2 =	sne.s32 s8, $0x1;
	[sflag:s28] =	ssyncadd.s32 $0xFFFFD800;
	s6 =	sadd.s32 $0x80, s6  }
.Ltmp5:
0xcc: {  	s8 =	sadd.s32 $0xFFFFFFFF, s8;
	(pc) =	sbr.rel @p2 .LBB2_5-.Ltmp5, $4  }
0xcd: {  	_ = 	snop  }
0xce: {  	[spmem:s4] =	stream.indirect.scatter.add.f32 [tilespmem:s30], [sflag:$0x2], $0x80, s6, s2, $0xb8;
	[tilespmem:$0x1F880] =	vst v63  }
0xcf: {  	_ =	swait.ge [sflag:s28], $0x2800  }
0xd0: {  	[sflag:s28] =	ssyncset.done $0x0  }
.LBB2_6:
0xd1: {  	[sflag:s28] =	ssyncadd.s32 $0xFFFFD800  }
.LBB2_7:
0xd2: {  	[bflag:$0x0] =	sbarrier.arrive $0xFFFF  }
0xd3: {  	[tilespmem:s30], [sflag:$0x2] =	stream.linear.gather [spmem:s20], $0x2800, $0x38;
	[tilespmem:$0x1F880] =	vst v63  }
0xd4: {  	_ =	swait.ge [sflag:s28], $0x2800  }
0xd5: {  	[sflag:s28] =	ssyncset.done $0x0  }
0xd6: {  	s26 =	simm.s32 $0x0;
	s6 =	rddreg [dreg:$0x6];
	[sflag:s28] =	ssyncadd.s32 $0xFFFFD800  }
0xd7: {  	[hbm4b:s6+s26] =	stream.linear.scatter [tilespmem:s30], [sflag:$0x2], $0x2800, $0x38;
	[tilespmem:$0x1F880] =	vst v63  }
0xd8: {  	_ =	swait.ge [sflag:s28], $0x2800  }
0xd9: {  	[sflag:s28] =	ssyncset.done $0x0  }
0xda: {  	[sflag:s28] =	ssyncadd.s32 $0xFFFFD800  }
0xdb: {  	[tilespmem:s30], [sflag:$0x2] =	stream.linear.gather [spmem:s22], $0x2800, $0x38;
	[tilespmem:$0x1F880] =	vst v63  }
0xdc: {  	_ =	swait.ge [sflag:s28], $0x2800  }
0xdd: {  	[sflag:s28] =	ssyncset.done $0x0  }
0xde: {  	s8 =	rddreg [dreg:$0x7];
	[sflag:s28] =	ssyncadd.s32 $0xFFFFD800  }
0xdf: {  	[hbm4b:s8+s26] =	stream.linear.scatter [tilespmem:s30], [sflag:$0x2], $0x2800, $0x38;
	[tilespmem:$0x1F880] =	vst v63  }
0xe0: {  	_ =	swait.ge [sflag:s28], $0x2800  }
0xe1: {  	[sflag:s28] =	ssyncset.done $0x0  }
0xe2: {  	[sflag:s28] =	ssyncadd.s32 $0xFFFFD800  }
0xe3: {  	[tilespmem:s30], [sflag:$0x2] =	stream.linear.gather [spmem:s23], $0x2800, $0x38;
	[tilespmem:$0x1F880] =	vst v63  }
0xe4: {  	_ =	swait.ge [sflag:s28], $0x2800  }
0xe5: {  	[sflag:s28] =	ssyncset.done $0x0  }
0xe6: {  	s9 =	rddreg [dreg:$0x8];
	[sflag:s28] =	ssyncadd.s32 $0xFFFFD800  }
0xe7: {  	[hbm4b:s9+s26] =	stream.linear.scatter [tilespmem:s30], [sflag:$0x2], $0x2800, $0x38;
	[tilespmem:$0x1F880] =	vst v63  }
0xe8: {  	_ =	swait.ge [sflag:s28], $0x2800  }
0xe9: {  	[sflag:s28] =	ssyncset.done $0x0  }
0xea: {  	[sflag:s28] =	ssyncadd.s32 $0xFFFFD800  }
0xeb: {  	[tilespmem:s30], [sflag:$0x2] =	stream.linear.gather [spmem:s24], $0x2800, $0x38;
	[tilespmem:$0x1F880] =	vst v63  }
0xec: {  	_ =	swait.ge [sflag:s28], $0x2800  }
0xed: {  	[sflag:s28] =	ssyncset.done $0x0  }
0xee: {  	[sflag:s28] =	ssyncadd.s32 $0xFFFFD800  }
0xef: {  	[hbm4b:s11+s26] =	stream.linear.scatter [tilespmem:s30], [sflag:$0x2], $0x2800, $0x38;
	[tilespmem:$0x1F880] =	vst v63  }
0xf0: {  	_ =	swait.ge [sflag:s28], $0x2800  }
0xf1: {  	[sflag:s28] =	ssyncset.done $0x0  }
0xf2: {  	[sflag:s28] =	ssyncadd.s32 $0xFFFFD800  }
0xf3: {  	[tilespmem:s30], [sflag:$0x2] =	stream.linear.gather [spmem:s19], $0x400, $0x38;
	[tilespmem:$0x1F880] =	vst v63  }
0xf4: {  	_ =	swait.ge [sflag:s28], $0x400  }
0xf5: {  	[sflag:s28] =	ssyncset.done $0x0  }
0xf6: {  	[sflag:s28] =	ssyncadd.s32 $0xFFFFFC00  }
0xf7: {  	[hbm4b:s25+s26] =	stream.linear.scatter [tilespmem:s30], [sflag:$0x2], $0x400, $0x38;
	[tilespmem:$0x1F880] =	vst v63  }
.Ltmp6:
0xf8: {  	_ =	swait.ge [sflag:s28], $0x400;
	(pc) =	sbr.rel @p1 .LBB2_11-.Ltmp6, $4  }
0xf9: {  	[sflag:s28] =	ssyncset.done $0x0  }
0xfa: {  	[sflag:s28] =	ssyncadd.s32 $0xFFFFFC00  }
0xfb: {  	[bflag:$0x0] =	sbarrier.arrive $0xFFFF  }
0xfc: {  	s6 =	simm.s32 $0x8000  }
0xfd: {  	[tilespmem:s29], [sflag:$0x1] =	stream.indirect.gather [hbm4b:s1+s2], $0x80, s26, s2, $0xb8;
	[tilespmem:$0x1F880] =	vst v63  }
0xfe: {  	p1 =	sne.s32 s3, $0x1;
	_ =	swait.ge [sflag:s31], $0x2800  }
.Ltmp7:
0xff: {  	[sflag:s31] =	ssyncset.done $0x0;
	(pc) =	sbr.rel @!p1 .LBB2_10-.Ltmp7, $4  }
0x100: {  	[sflag:s31] =	ssyncadd.s32 $0xFFFFD800  }
0x101: {  	[spmem:s4] =	stream.indirect.scatter.add.f32 [tilespmem:s29], [sflag:$0x2], $0x80, s6, s2, $0xb8;
	[tilespmem:$0x1F880] =	vst v63  }
0x102: {  	_ =	swait.ge [sflag:s28], $0x2800  }
0x103: {  	s3 =	sadd.s32 $0xFFFFFFFF, s3;
	[sflag:s28] =	ssyncset.done $0x0  }
.LBB2_9:
0x104: {  	[sflag:s28] =	ssyncadd.s32 $0xFFFFD800;
	s26 =	sadd.s32 $0x80, s26;
	s6 =	sadd.s32 $0x80, s6  }
0x105: {  	[tilespmem:s29], [sflag:$0x1] =	stream.indirect.gather [hbm4b:s1+s2], $0x80, s26, s2, $0xb8;
	[tilespmem:$0x1F880] =	vst v63  }
0x106: {  	p1 =	sne.s32 s3, $0x1;
	s3 =	sadd.s32 $0xFFFFFFFF, s3;
	_ =	swait.ge [sflag:s31], $0x2800  }
.Ltmp8:
0x107: {  	[sflag:s31] =	ssyncset.done $0x0;
	(pc) =	sbr.rel @p1 .LBB2_9-.Ltmp8, $4  }
0x108: {  	[sflag:s31] =	ssyncadd.s32 $0xFFFFD800  }
0x109: {  	[spmem:s4] =	stream.indirect.scatter.add.f32 [tilespmem:s29], [sflag:$0x2], $0x80, s6, s2, $0xb8;
	[tilespmem:$0x1F880] =	vst v63  }
0x10a: {  	_ =	swait.ge [sflag:s28], $0x2800  }
0x10b: {  	[sflag:s28] =	ssyncset.done $0x0  }
.Ltmp9:
0x10c: {  	_ = 	snop;
	(pc) =	sbr.rel .LBB2_10-.Ltmp9, $1  }
0x10d: {  	_ =	sdelay $0x3  }
.LBB2_12:
0x10e: {  	_ =	sfence.sel $0x180000  }
0x10f: {  	[bflag:$0x0] =	sbarrier.arrive $0xFFFF  }
0x110: {  	_ =	strace $0x90000047  }
0x111: {  	s0 =	stileid.u32;
	[bflag:$0x2] =	sbarrier.arrive $0xFFFF  }
0x112: {  	p0 =	sne.s32 s0, $0x0;
	s0 =	rddreg [dreg:$0x4]  }
0x113: {  	s0 =	sadd.s32 @!p0 $0x100000, s0  }
0x114: {  	[sflag:s0] =	ssyncadd.tile.s32 @!p0 $0x1;
	_ =	shalt  }
.Lfunc_end2:
_tile_overlayer_lowered:
.L_overlay_start_2:
0x115: {  	(tag) =	ssettag $0x2  }
0x116: {  	s0 =	rddreg [dreg:$0x0];
	s2 =	stileid.u32  }
0x117: {  	s1 =	rddreg [dreg:$0x1];
	p0 =	sne.s32 s2, $0x0  }
0x118: {  	s3 =	rddreg [dreg:$0x2];
	[bflag:$0x3] =	sbarrier.arrive $0xFFFF;
	s2 =	simm.s32 @!p0 $0x1C02  }
0x119: {  	[timem:s3], [sflag:s2] =	dma.local @!p0 [hbm:s0], s1  }
0x11a: {  	s0 =	simm.s32 @!p0 $0x2  }
0x11b: {  	_ =	swait.ge @!p0 [sflag:s0], s1  }
0x11c: {  	s1 =	ssub.s32 @!p0 $0x0, s1;
	[sflag:s0] =	ssyncset.done @!p0 $0x0  }
0x11d: {  	[sflag:s0] =	ssyncadd.s32 @!p0 s1  }
0x11e: {  	[bflag:$0x3] =	sbarrier.arrive $0xFFFF  }
0x11f: {  	_ =	shalt  }

</sc_bundles>
